<compile_context>
chip_gen: v7x
topology: tpu7x:2x2x1
jax: 0.10.2.dev20260603
libtpu: 0.0.44.dev20260713+nightly
codegen_flags: <defaults>
</compile_context>

<pallas_src>
import functools

import jax
import jax.numpy as jnp
from jax import lax
from jax.experimental import pallas as pl
from jax.experimental.pallas import tpu as pltpu, tpu_sc as plsc

_NUM_ROWS = 65536
_F = 32
_NPIX = 512 * 512
_NC = 2
_NS = 16
_NW = _NC * _NS
_BINS = 4096

_mesh = plsc.VectorSubcoreMesh(core_axis_name="c", subcore_axis_name="s")


@functools.partial(
    pl.kernel,
    out_type=(
        jax.ShapeDtypeStruct((_NW, _BINS), jnp.float32),
        jax.ShapeDtypeStruct((_NW, _BINS), jnp.float32),
    ),
    mesh=_mesh,
    compiler_params=pltpu.CompilerParams(needs_layout_passes=False),
    scratch_types=[
        pltpu.VMEM((16, 512), jnp.float32),
        pltpu.VMEM((16, 512), jnp.float32),
        pltpu.VMEM((16, 512), jnp.float32),
        pltpu.VMEM((16, 512), jnp.float32),
        pltpu.VMEM((16, 512), jnp.float32),
        pltpu.VMEM((16, 512), jnp.float32),
        pltpu.VMEM((_BINS,), jnp.float32),
        pltpu.VMEM((_BINS,), jnp.float32),
        pltpu.SemaphoreType.DMA,
    ],
)
def _hist_sc(xa_hbm, xs_hbm, hm_out, hl_out,
             xa0, xa1, xa2, xs0, xs1, xs2, hm, hl, sem):
    c = lax.axis_index("c")
    s = lax.axis_index("s")
    wid = s * _NC + c
    row_base = wid * 16

    copies = []
    for ch, buf in enumerate((xa0, xa1, xa2)):
        copies.append(pltpu.async_copy(
            xa_hbm.at[0, ch, pl.ds(row_base, 16), :], buf, sem))
    for ch, buf in enumerate((xs0, xs1, xs2)):
        copies.append(pltpu.async_copy(
            xs_hbm.at[0, ch, pl.ds(row_base, 16), :], buf, sem))

    zf = jnp.zeros((16,), jnp.float32)

    def zero_body(i, _):
        hm[pl.ds(i * 16, 16)] = zf
        hl[pl.ds(i * 16, 16)] = zf
        return 0

    lax.fori_loop(0, _BINS // 16, zero_body, 0)
    for cp in copies:
        cp.wait()

    ones = jnp.ones((16,), jnp.float32)

    def hist_body(i, _):
        r = i >> 1
        hj = (i & 1) * 16
        for g in range(8):
            s0 = pl.ds((hj + 2 * g) * 16, 16)
            s1 = pl.ds((hj + 2 * g + 1) * 16, 16)
            a0 = xa0[r, s0]
            b0 = xa1[r, s0]
            d0 = xa2[r, s0]
            a1 = xs0[r, s0]
            b1 = xs1[r, s0]
            d1 = xs2[r, s0]
            a2 = xa0[r, s1]
            b2 = xa1[r, s1]
            d2 = xa2[r, s1]
            a3 = xs0[r, s1]
            b3 = xs1[r, s1]
            d3 = xs2[r, s1]
            i0 = (a0 * 256.0 + b0 * 16.0 + d0).astype(jnp.int32)
            i1 = (a1 * 256.0 + b1 * 16.0 + d1).astype(jnp.int32)
            i2 = (a2 * 256.0 + b2 * 16.0 + d2).astype(jnp.int32)
            i3 = (a3 * 256.0 + b3 * 16.0 + d3).astype(jnp.int32)
            i0 = ((i0 & 7) << 9) | (i0 >> 3)
            i1 = ((i1 & 7) << 9) | (i1 >> 3)
            i2 = ((i2 & 7) << 9) | (i2 >> 3)
            i3 = ((i3 & 7) << 9) | (i3 >> 3)
            plsc.addupdate_scatter(hm, [i0], ones)
            plsc.addupdate_scatter(hl, [i1], ones)
            plsc.addupdate_scatter(hm, [i2], ones)
            plsc.addupdate_scatter(hl, [i3], ones)
        return 0

    lax.fori_loop(0, 32, hist_body, 0)

    pltpu.sync_copy(hm, hm_out.at[wid])
    pltpu.sync_copy(hl, hl_out.at[wid])


_WROWS = _NUM_ROWS * _F // 128
_BROWS = _WROWS // 4


def _compact_body(tm_ref, tl_ref, om_ref, ol_ref):
    sel = (lax.broadcasted_iota(jnp.int32, (128, 8), 0)
           == 16 * lax.broadcasted_iota(jnp.int32, (128, 8), 1)
           ).astype(jnp.float32)
    dn = (((0,), (1,)), ((), ()))
    om_ref[...] = lax.dot_general(sel, tm_ref[...], dn,
                                  preferred_element_type=jnp.float32)
    ol_ref[...] = lax.dot_general(sel, tl_ref[...], dn,
                                  preferred_element_type=jnp.float32)


_GBLK = _WROWS // 16


_compact = pl.pallas_call(
    _compact_body,
    grid=(16,),
    in_specs=[
        pl.BlockSpec((_GBLK, 128), lambda i: (i, 0)),
        pl.BlockSpec((_GBLK, 128), lambda i: (i, 0)),
    ],
    out_specs=[
        pl.BlockSpec((8, _GBLK), lambda i: (0, i)),
        pl.BlockSpec((8, _GBLK), lambda i: (0, i)),
    ],
    out_shape=[
        jax.ShapeDtypeStruct((8, _WROWS), jnp.float32),
        jax.ShapeDtypeStruct((8, _WROWS), jnp.float32),
    ],
)


def _finish_body(hm_ref, hl_ref, ptm_ref, ptl_ref, o_ref):
    hmk = jnp.sum(hm_ref[...], axis=0, keepdims=True)
    hlk = jnp.sum(hl_ref[...], axis=0, keepdims=True)
    acc = jnp.zeros((_F, 512), jnp.float32)
    for j in range(8):
        hmj = hmk[:, j * 512:(j + 1) * 512]
        hlj = hlk[:, j * 512:(j + 1) * 512]
        pmj = ptm_ref[j:j + 1, :].reshape(_F, 512)
        plj = ptl_ref[j:j + 1, :].reshape(_F, 512)
        acc = acc + pmj * hmj + plj * hlj
    o = jnp.sum(acc, axis=1, keepdims=True)
    o = o * (1.0 / _NPIX)
    o = jnp.clip(jnp.round(o * 2.0) * 0.5, -16.0, 15.5)
    o_ref[...] = o.T


_finish = pl.pallas_call(
    _finish_body,
    out_shape=jax.ShapeDtypeStruct((1, _F), jnp.float32),
)


def kernel(x_in, x_s, feature_msb, feature_lsb):
    tmf = feature_msb.transpose(1, 2, 3, 0).reshape(_WROWS, 128)
    tlf = feature_lsb.transpose(1, 2, 3, 0).reshape(_WROWS, 128)
    ptm, ptl = _compact(tmf, tlf)
    hm32, hl32 = _hist_sc(x_in, x_s)
    out = _finish(hm32, hl32, ptm, ptl)
    return out.reshape(1, _F, 1, 1)

# --- scband reference (transcript-rebuilt; emitter-appended) ---
"""Pipeline reference for scband-feat-lut-15968688407030 (READ-ONLY COPY).

The authoritative reference and input builder live on the scoring server;
editing this copy changes nothing except your own understanding.
"""

import jax, jax.numpy as jnp
import numpy as np

NUM_ROWS = 65536  # 16^4
FEAT_DIM = 32
H = 512
W = 512

def setup_inputs(seed: int = 0) -> dict:
    key = jax.random.key(seed)
    k1, k2, k3, k4 = jax.random.split(key, 4)
    x_in = jax.random.randint(k1, (1, 3, H, W), 0, 16).astype(jnp.float32)
    x_s = jax.random.randint(k2, (1, 3, H, W), 0, 16).astype(jnp.float32)
    feature_msb = jax.random.normal(k3, (NUM_ROWS, FEAT_DIM, 1, 1), dtype=jnp.float32)
    feature_lsb = jax.random.normal(k4, (NUM_ROWS, FEAT_DIM, 1, 1), dtype=jnp.float32)
    return {"x_in": x_in, "x_s": x_s, "feature_msb": feature_msb, "feature_lsb": feature_lsb}

def reference(x_in, x_s, feature_msb, feature_lsb):
    B, C, h, w = x_in.shape
    weights = jnp.array([16 * 16 * 16, 16 * 16, 16], dtype=jnp.float32).reshape(1, 3, 1, 1)
    idx_msb = jnp.sum(x_in * weights, axis=1)  # [B, H, W]
    idx_lsb = jnp.sum(x_s * weights, axis=1)
    idx_msb_flat = idx_msb.reshape(-1).astype(jnp.int32)
    idx_lsb_flat = idx_lsb.reshape(-1).astype(jnp.int32)
    out_msb = jnp.take(feature_msb, idx_msb_flat, axis=0)  # [B*H*W, F, 1, 1]
    out_msb = out_msb.reshape(1, h, w, -1).transpose(0, 3, 1, 2).astype(jnp.float32)
    out_lsb = jnp.take(feature_lsb, idx_lsb_flat, axis=0)
    out_lsb = out_lsb.reshape(1, h, w, -1).transpose(0, 3, 1, 2).astype(jnp.float32)
    out = out_lsb + out_msb
    out = jnp.mean(out, axis=(2, 3), keepdims=True)  # AdaptiveAvgPool2d(1)
    temp = jnp.round(out * 2) / 2
    out = jnp.clip(temp, -16.0, 15.5)
    return out

if __name__ == "__main__":
    import jax
    _d = setup_inputs()
    print(jax.jit(kernel)(*tuple(_d.values())))

</pallas_src>

<mosaic_0001>
#map = affine_map<(d0, d1) -> (0, 0, 0, 0)>
#map1 = affine_map<(d0, d1) -> (0, 0)>
module attributes {stable_mosaic.version = 14 : i64} {
  func.func @_hist_sc(%arg0: i32, %arg1: i32, %arg2: memref<1x3x512x512xf32, #tpu.memory_space<hbm>>, %arg3: memref<1x3x512x512xf32, #tpu.memory_space<hbm>>, %arg4: memref<32x4096xf32, #tpu.memory_space<hbm>>, %arg5: memref<32x4096xf32, #tpu.memory_space<hbm>>, %arg6: memref<16x512xf32, #tpu.memory_space<vmem>>, %arg7: memref<16x512xf32, #tpu.memory_space<vmem>>, %arg8: memref<16x512xf32, #tpu.memory_space<vmem>>, %arg9: memref<16x512xf32, #tpu.memory_space<vmem>>, %arg10: memref<16x512xf32, #tpu.memory_space<vmem>>, %arg11: memref<16x512xf32, #tpu.memory_space<vmem>>, %arg12: memref<4096xf32, #tpu.memory_space<vmem>>, %arg13: memref<4096xf32, #tpu.memory_space<vmem>>, %arg14: memref<!tpu.dma_semaphore, #tpu.memory_space<semaphore_mem>>) attributes {dimension_semantics = [#tpu.dimension_semantics<core_parallel>, #tpu.dimension_semantics<subcore_parallel>], iteration_bounds = array<i64: 2, 16>, scalar_prefetch = 0 : i64, scratch_operands = 9 : i64, tpu.core_type = #tpu.core_type<sc_vector_subcore>, window_params = [{transform_indices = #map}, {transform_indices = #map}, {transform_indices = #map1}, {transform_indices = #map1}]} {
    %mul3A = arith.constant 2 : i32
    %mul3A_0 = arith.muli %arg1, %mul3A : i32
    %add3A = arith.addi %mul3A_0, %arg0 : i32
    %mul3A_1 = arith.constant 16 : i32
    %mul3A_2 = arith.muli %add3A, %mul3A_1 : i32
    %dma_start3A = arith.constant 0 : i32
    %dma_start3A_3 = arith.constant 0 : i32
    %dma_start3A_4 = arith.constant 0 : i32
    %dma_start3A_5 = tpu.memref_slice %arg2[%dma_start3A, %dma_start3A_3, %mul3A_2, %dma_start3A_4] : memref<1x3x512x512xf32, #tpu.memory_space<hbm>> -> memref<1x1x16x512xf32, #tpu.memory_space<hbm>>
    %dma_start3A_6 = tpu.memref_squeeze %dma_start3A_5 : memref<1x1x16x512xf32, #tpu.memory_space<hbm>> -> memref<16x512xf32, #tpu.memory_space<hbm>>
    %dma_start3A_7 = arith.constant 0 : i32
    %dma_start3A_8 = tpu.memref_slice %arg2[%dma_start3A, %dma_start3A_3, %mul3A_2, %dma_start3A_7] : memref<1x3x512x512xf32, #tpu.memory_space<hbm>> -> memref<1x1x16x512xf32, #tpu.memory_space<hbm>>
    %dma_start3A_9 = tpu.memref_squeeze %dma_start3A_8 : memref<1x1x16x512xf32, #tpu.memory_space<hbm>> -> memref<16x512xf32, #tpu.memory_space<hbm>>
    tpu.enqueue_dma source(%dma_start3A_9 : memref<16x512xf32, #tpu.memory_space<hbm>>) target(%arg6 : memref<16x512xf32, #tpu.memory_space<vmem>>) target_semaphore(%arg14 : memref<!tpu.dma_semaphore, #tpu.memory_space<semaphore_mem>>)
    %dma_start3A_10 = arith.constant 0 : i32
    %dma_start3A_11 = arith.constant 1 : i32
    %dma_start3A_12 = arith.constant 0 : i32
    %dma_start3A_13 = tpu.memref_slice %arg2[%dma_start3A_10, %dma_start3A_11, %mul3A_2, %dma_start3A_12] : memref<1x3x512x512xf32, #tpu.memory_space<hbm>> -> memref<1x1x16x512xf32, #tpu.memory_space<hbm>>
    %dma_start3A_14 = tpu.memref_squeeze %dma_start3A_13 : memref<1x1x16x512xf32, #tpu.memory_space<hbm>> -> memref<16x512xf32, #tpu.memory_space<hbm>>
    %dma_start3A_15 = arith.constant 0 : i32
    %dma_start3A_16 = tpu.memref_slice %arg2[%dma_start3A_10, %dma_start3A_11, %mul3A_2, %dma_start3A_15] : memref<1x3x512x512xf32, #tpu.memory_space<hbm>> -> memref<1x1x16x512xf32, #tpu.memory_space<hbm>>
    %dma_start3A_17 = tpu.memref_squeeze %dma_start3A_16 : memref<1x1x16x512xf32, #tpu.memory_space<hbm>> -> memref<16x512xf32, #tpu.memory_space<hbm>>
    tpu.enqueue_dma source(%dma_start3A_17 : memref<16x512xf32, #tpu.memory_space<hbm>>) target(%arg7 : memref<16x512xf32, #tpu.memory_space<vmem>>) target_semaphore(%arg14 : memref<!tpu.dma_semaphore, #tpu.memory_space<semaphore_mem>>)
    %dma_start3A_18 = arith.constant 0 : i32
    %dma_start3A_19 = arith.constant 2 : i32
    %dma_start3A_20 = arith.constant 0 : i32
    %dma_start3A_21 = tpu.memref_slice %arg2[%dma_start3A_18, %dma_start3A_19, %mul3A_2, %dma_start3A_20] : memref<1x3x512x512xf32, #tpu.memory_space<hbm>> -> memref<1x1x16x512xf32, #tpu.memory_space<hbm>>
    %dma_start3A_22 = tpu.memref_squeeze %dma_start3A_21 : memref<1x1x16x512xf32, #tpu.memory_space<hbm>> -> memref<16x512xf32, #tpu.memory_space<hbm>>
    %dma_start3A_23 = arith.constant 0 : i32
    %dma_start3A_24 = tpu.memref_slice %arg2[%dma_start3A_18, %dma_start3A_19, %mul3A_2, %dma_start3A_23] : memref<1x3x512x512xf32, #tpu.memory_space<hbm>> -> memref<1x1x16x512xf32, #tpu.memory_space<hbm>>
    %dma_start3A_25 = tpu.memref_squeeze %dma_start3A_24 : memref<1x1x16x512xf32, #tpu.memory_space<hbm>> -> memref<16x512xf32, #tpu.memory_space<hbm>>
    tpu.enqueue_dma source(%dma_start3A_25 : memref<16x512xf32, #tpu.memory_space<hbm>>) target(%arg8 : memref<16x512xf32, #tpu.memory_space<vmem>>) target_semaphore(%arg14 : memref<!tpu.dma_semaphore, #tpu.memory_space<semaphore_mem>>)
    %dma_start3A_26 = arith.constant 0 : i32
    %dma_start3A_27 = arith.constant 0 : i32
    %dma_start3A_28 = arith.constant 0 : i32
    %dma_start3A_29 = tpu.memref_slice %arg3[%dma_start3A_26, %dma_start3A_27, %mul3A_2, %dma_start3A_28] : memref<1x3x512x512xf32, #tpu.memory_space<hbm>> -> memref<1x1x16x512xf32, #tpu.memory_space<hbm>>
    %dma_start3A_30 = tpu.memref_squeeze %dma_start3A_29 : memref<1x1x16x512xf32, #tpu.memory_space<hbm>> -> memref<16x512xf32, #tpu.memory_space<hbm>>
    %dma_start3A_31 = arith.constant 0 : i32
    %dma_start3A_32 = tpu.memref_slice %arg3[%dma_start3A_26, %dma_start3A_27, %mul3A_2, %dma_start3A_31] : memref<1x3x512x512xf32, #tpu.memory_space<hbm>> -> memref<1x1x16x512xf32, #tpu.memory_space<hbm>>
    %dma_start3A_33 = tpu.memref_squeeze %dma_start3A_32 : memref<1x1x16x512xf32, #tpu.memory_space<hbm>> -> memref<16x512xf32, #tpu.memory_space<hbm>>
    tpu.enqueue_dma source(%dma_start3A_33 : memref<16x512xf32, #tpu.memory_space<hbm>>) target(%arg9 : memref<16x512xf32, #tpu.memory_space<vmem>>) target_semaphore(%arg14 : memref<!tpu.dma_semaphore, #tpu.memory_space<semaphore_mem>>)
    %dma_start3A_34 = arith.constant 0 : i32
    %dma_start3A_35 = arith.constant 1 : i32
    %dma_start3A_36 = arith.constant 0 : i32
    %dma_start3A_37 = tpu.memref_slice %arg3[%dma_start3A_34, %dma_start3A_35, %mul3A_2, %dma_start3A_36] : memref<1x3x512x512xf32, #tpu.memory_space<hbm>> -> memref<1x1x16x512xf32, #tpu.memory_space<hbm>>
    %dma_start3A_38 = tpu.memref_squeeze %dma_start3A_37 : memref<1x1x16x512xf32, #tpu.memory_space<hbm>> -> memref<16x512xf32, #tpu.memory_space<hbm>>
    %dma_start3A_39 = arith.constant 0 : i32
    %dma_start3A_40 = tpu.memref_slice %arg3[%dma_start3A_34, %dma_start3A_35, %mul3A_2, %dma_start3A_39] : memref<1x3x512x512xf32, #tpu.memory_space<hbm>> -> memref<1x1x16x512xf32, #tpu.memory_space<hbm>>
    %dma_start3A_41 = tpu.memref_squeeze %dma_start3A_40 : memref<1x1x16x512xf32, #tpu.memory_space<hbm>> -> memref<16x512xf32, #tpu.memory_space<hbm>>
    tpu.enqueue_dma source(%dma_start3A_41 : memref<16x512xf32, #tpu.memory_space<hbm>>) target(%arg10 : memref<16x512xf32, #tpu.memory_space<vmem>>) target_semaphore(%arg14 : memref<!tpu.dma_semaphore, #tpu.memory_space<semaphore_mem>>)
    %dma_start3A_42 = arith.constant 0 : i32
    %dma_start3A_43 = arith.constant 2 : i32
    %dma_start3A_44 = arith.constant 0 : i32
    %dma_start3A_45 = tpu.memref_slice %arg3[%dma_start3A_42, %dma_start3A_43, %mul3A_2, %dma_start3A_44] : memref<1x3x512x512xf32, #tpu.memory_space<hbm>> -> memref<1x1x16x512xf32, #tpu.memory_space<hbm>>
    %dma_start3A_46 = tpu.memref_squeeze %dma_start3A_45 : memref<1x1x16x512xf32, #tpu.memory_space<hbm>> -> memref<16x512xf32, #tpu.memory_space<hbm>>
    %dma_start3A_47 = arith.constant 0 : i32
    %dma_start3A_48 = tpu.memref_slice %arg3[%dma_start3A_42, %dma_start3A_43, %mul3A_2, %dma_start3A_47] : memref<1x3x512x512xf32, #tpu.memory_space<hbm>> -> memref<1x1x16x512xf32, #tpu.memory_space<hbm>>
    %dma_start3A_49 = tpu.memref_squeeze %dma_start3A_48 : memref<1x1x16x512xf32, #tpu.memory_space<hbm>> -> memref<16x512xf32, #tpu.memory_space<hbm>>
    tpu.enqueue_dma source(%dma_start3A_49 : memref<16x512xf32, #tpu.memory_space<hbm>>) target(%arg11 : memref<16x512xf32, #tpu.memory_space<vmem>>) target_semaphore(%arg14 : memref<!tpu.dma_semaphore, #tpu.memory_space<semaphore_mem>>)
    %broadcast_in_dim3A = arith.constant 0.000000e+00 : f32
    %broadcast_in_dim3A_50 = vector.broadcast %broadcast_in_dim3A : f32 to vector<16xf32>
    %scan3A = arith.constant 0 : i32
    %scan3A_51 = arith.constant 0 : i32
    %scan3A_52 = arith.constant 256 : i32
    %scan3A_53 = arith.addi %scan3A_51, %scan3A_52 : i32
    %scan3A_54 = arith.constant 1 : i32
    %scan3A_55 = scf.for %scan3A_113 = %scan3A_51 to %scan3A_53 step %scan3A_54 iter_args(%scan3A_114 = %scan3A) -> (i32)  : i32 {
      %mul3A_115 = arith.constant 16 : i32
      %mul3A_116 = arith.muli %scan3A_113, %mul3A_115 : i32
      %swap3A = arith.index_cast %mul3A_116 : i32 to index
      %swap3A_117 = tpu.vector_load %arg12[%swap3A] {strides = array<i32>} : memref<4096xf32, #tpu.memory_space<vmem>>, vector<16xf32>,
      tpu.vector_store %arg12[%swap3A], %broadcast_in_dim3A_50 {strides = array<i32>} : memref<4096xf32, #tpu.memory_space<vmem>>, vector<16xf32>,
      %mul3A_118 = arith.constant 16 : i32
      %mul3A_119 = arith.muli %scan3A_113, %mul3A_118 : i32
      %swap3A_120 = arith.index_cast %mul3A_119 : i32 to index
      %swap3A_121 = tpu.vector_load %arg13[%swap3A_120] {strides = array<i32>} : memref<4096xf32, #tpu.memory_space<vmem>>, vector<16xf32>,
      tpu.vector_store %arg13[%swap3A_120], %broadcast_in_dim3A_50 {strides = array<i32>} : memref<4096xf32, #tpu.memory_space<vmem>>, vector<16xf32>,
      %scan3A_122 = arith.constant 0 : i32
      scf.yield %scan3A_122 : i32
    }
    %scan3A_56 = arith.constant 256 : i32
    %dma_wait3A = arith.constant 0 : i32
    %dma_wait3A_57 = arith.constant 0 : i32
    %dma_wait3A_58 = arith.constant 0 : i32
    %dma_wait3A_59 = tpu.memref_slice %arg2[%dma_wait3A, %dma_wait3A_57, %mul3A_2, %dma_wait3A_58] : memref<1x3x512x512xf32, #tpu.memory_space<hbm>> -> memref<1x1x16x512xf32, #tpu.memory_space<hbm>>
    %dma_wait3A_60 = tpu.memref_squeeze %dma_wait3A_59 : memref<1x1x16x512xf32, #tpu.memory_space<hbm>> -> memref<16x512xf32, #tpu.memory_space<hbm>>
    %dma_wait3A_61 = arith.constant 0 : i32
    %dma_wait3A_62 = tpu.memref_slice %arg2[%dma_wait3A, %dma_wait3A_57, %mul3A_2, %dma_wait3A_61] : memref<1x3x512x512xf32, #tpu.memory_space<hbm>> -> memref<1x1x16x512xf32, #tpu.memory_space<hbm>>
    %dma_wait3A_63 = tpu.memref_squeeze %dma_wait3A_62 : memref<1x1x16x512xf32, #tpu.memory_space<hbm>> -> memref<16x512xf32, #tpu.memory_space<hbm>>
    tpu.wait_dma2 semaphore(%arg14 : memref<!tpu.dma_semaphore, #tpu.memory_space<semaphore_mem>>) src(%dma_wait3A_63 : memref<16x512xf32, #tpu.memory_space<hbm>>) dst(%arg6 : memref<16x512xf32, #tpu.memory_space<vmem>>)
    %dma_wait3A_64 = arith.constant 0 : i32
    %dma_wait3A_65 = arith.constant 1 : i32
    %dma_wait3A_66 = arith.constant 0 : i32
    %dma_wait3A_67 = tpu.memref_slice %arg2[%dma_wait3A_64, %dma_wait3A_65, %mul3A_2, %dma_wait3A_66] : memref<1x3x512x512xf32, #tpu.memory_space<hbm>> -> memref<1x1x16x512xf32, #tpu.memory_space<hbm>>
    %dma_wait3A_68 = tpu.memref_squeeze %dma_wait3A_67 : memref<1x1x16x512xf32, #tpu.memory_space<hbm>> -> memref<16x512xf32, #tpu.memory_space<hbm>>
    %dma_wait3A_69 = arith.constant 0 : i32
    %dma_wait3A_70 = tpu.memref_slice %arg2[%dma_wait3A_64, %dma_wait3A_65, %mul3A_2, %dma_wait3A_69] : memref<1x3x512x512xf32, #tpu.memory_space<hbm>> -> memref<1x1x16x512xf32, #tpu.memory_space<hbm>>
    %dma_wait3A_71 = tpu.memref_squeeze %dma_wait3A_70 : memref<1x1x16x512xf32, #tpu.memory_space<hbm>> -> memref<16x512xf32, #tpu.memory_space<hbm>>
    tpu.wait_dma2 semaphore(%arg14 : memref<!tpu.dma_semaphore, #tpu.memory_space<semaphore_mem>>) src(%dma_wait3A_71 : memref<16x512xf32, #tpu.memory_space<hbm>>) dst(%arg7 : memref<16x512xf32, #tpu.memory_space<vmem>>)
    %dma_wait3A_72 = arith.constant 0 : i32
    %dma_wait3A_73 = arith.constant 2 : i32
    %dma_wait3A_74 = arith.constant 0 : i32
    %dma_wait3A_75 = tpu.memref_slice %arg2[%dma_wait3A_72, %dma_wait3A_73, %mul3A_2, %dma_wait3A_74] : memref<1x3x512x512xf32, #tpu.memory_space<hbm>> -> memref<1x1x16x512xf32, #tpu.memory_space<hbm>>
    %dma_wait3A_76 = tpu.memref_squeeze %dma_wait3A_75 : memref<1x1x16x512xf32, #tpu.memory_space<hbm>> -> memref<16x512xf32, #tpu.memory_space<hbm>>
    %dma_wait3A_77 = arith.constant 0 : i32
    %dma_wait3A_78 = tpu.memref_slice %arg2[%dma_wait3A_72, %dma_wait3A_73, %mul3A_2, %dma_wait3A_77] : memref<1x3x512x512xf32, #tpu.memory_space<hbm>> -> memref<1x1x16x512xf32, #tpu.memory_space<hbm>>
    %dma_wait3A_79 = tpu.memref_squeeze %dma_wait3A_78 : memref<1x1x16x512xf32, #tpu.memory_space<hbm>> -> memref<16x512xf32, #tpu.memory_space<hbm>>
    tpu.wait_dma2 semaphore(%arg14 : memref<!tpu.dma_semaphore, #tpu.memory_space<semaphore_mem>>) src(%dma_wait3A_79 : memref<16x512xf32, #tpu.memory_space<hbm>>) dst(%arg8 : memref<16x512xf32, #tpu.memory_space<vmem>>)
    %dma_wait3A_80 = arith.constant 0 : i32
    %dma_wait3A_81 = arith.constant 0 : i32
    %dma_wait3A_82 = arith.constant 0 : i32
    %dma_wait3A_83 = tpu.memref_slice %arg3[%dma_wait3A_80, %dma_wait3A_81, %mul3A_2, %dma_wait3A_82] : memref<1x3x512x512xf32, #tpu.memory_space<hbm>> -> memref<1x1x16x512xf32, #tpu.memory_space<hbm>>
    %dma_wait3A_84 = tpu.memref_squeeze %dma_wait3A_83 : memref<1x1x16x512xf32, #tpu.memory_space<hbm>> -> memref<16x512xf32, #tpu.memory_space<hbm>>
    %dma_wait3A_85 = arith.constant 0 : i32
    %dma_wait3A_86 = tpu.memref_slice %arg3[%dma_wait3A_80, %dma_wait3A_81, %mul3A_2, %dma_wait3A_85] : memref<1x3x512x512xf32, #tpu.memory_space<hbm>> -> memref<1x1x16x512xf32, #tpu.memory_space<hbm>>
    %dma_wait3A_87 = tpu.memref_squeeze %dma_wait3A_86 : memref<1x1x16x512xf32, #tpu.memory_space<hbm>> -> memref<16x512xf32, #tpu.memory_space<hbm>>
    tpu.wait_dma2 semaphore(%arg14 : memref<!tpu.dma_semaphore, #tpu.memory_space<semaphore_mem>>) src(%dma_wait3A_87 : memref<16x512xf32, #tpu.memory_space<hbm>>) dst(%arg9 : memref<16x512xf32, #tpu.memory_space<vmem>>)
    %dma_wait3A_88 = arith.constant 0 : i32
    %dma_wait3A_89 = arith.constant 1 : i32
    %dma_wait3A_90 = arith.constant 0 : i32
    %dma_wait3A_91 = tpu.memref_slice %arg3[%dma_wait3A_88, %dma_wait3A_89, %mul3A_2, %dma_wait3A_90] : memref<1x3x512x512xf32, #tpu.memory_space<hbm>> -> memref<1x1x16x512xf32, #tpu.memory_space<hbm>>
    %dma_wait3A_92 = tpu.memref_squeeze %dma_wait3A_91 : memref<1x1x16x512xf32, #tpu.memory_space<hbm>> -> memref<16x512xf32, #tpu.memory_space<hbm>>
    %dma_wait3A_93 = arith.constant 0 : i32
    %dma_wait3A_94 = tpu.memref_slice %arg3[%dma_wait3A_88, %dma_wait3A_89, %mul3A_2, %dma_wait3A_93] : memref<1x3x512x512xf32, #tpu.memory_space<hbm>> -> memref<1x1x16x512xf32, #tpu.memory_space<hbm>>
    %dma_wait3A_95 = tpu.memref_squeeze %dma_wait3A_94 : memref<1x1x16x512xf32, #tpu.memory_space<hbm>> -> memref<16x512xf32, #tpu.memory_space<hbm>>
    tpu.wait_dma2 semaphore(%arg14 : memref<!tpu.dma_semaphore, #tpu.memory_space<semaphore_mem>>) src(%dma_wait3A_95 : memref<16x512xf32, #tpu.memory_space<hbm>>) dst(%arg10 : memref<16x512xf32, #tpu.memory_space<vmem>>)
    %dma_wait3A_96 = arith.constant 0 : i32
    %dma_wait3A_97 = arith.constant 2 : i32
    %dma_wait3A_98 = arith.constant 0 : i32
    %dma_wait3A_99 = tpu.memref_slice %arg3[%dma_wait3A_96, %dma_wait3A_97, %mul3A_2, %dma_wait3A_98] : memref<1x3x512x512xf32, #tpu.memory_space<hbm>> -> memref<1x1x16x512xf32, #tpu.memory_space<hbm>>
    %dma_wait3A_100 = tpu.memref_squeeze %dma_wait3A_99 : memref<1x1x16x512xf32, #tpu.memory_space<hbm>> -> memref<16x512xf32, #tpu.memory_space<hbm>>
    %dma_wait3A_101 = arith.constant 0 : i32
    %dma_wait3A_102 = tpu.memref_slice %arg3[%dma_wait3A_96, %dma_wait3A_97, %mul3A_2, %dma_wait3A_101] : memref<1x3x512x512xf32, #tpu.memory_space<hbm>> -> memref<1x1x16x512xf32, #tpu.memory_space<hbm>>
    %dma_wait3A_103 = tpu.memref_squeeze %dma_wait3A_102 : memref<1x1x16x512xf32, #tpu.memory_space<hbm>> -> memref<16x512xf32, #tpu.memory_space<hbm>>
    tpu.wait_dma2 semaphore(%arg14 : memref<!tpu.dma_semaphore, #tpu.memory_space<semaphore_mem>>) src(%dma_wait3A_103 : memref<16x512xf32, #tpu.memory_space<hbm>>) dst(%arg11 : memref<16x512xf32, #tpu.memory_space<vmem>>)
    %broadcast_in_dim3A_104 = arith.constant 1.000000e+00 : f32
    %broadcast_in_dim3A_105 = vector.broadcast %broadcast_in_dim3A_104 : f32 to vector<16xf32>
    %scan3A_106 = arith.constant 0 : i32
    %scan3A_107 = arith.constant 0 : i32
    %scan3A_108 = arith.constant 32 : i32
    %scan3A_109 = arith.addi %scan3A_107, %scan3A_108 : i32
    %scan3A_110 = arith.constant 1 : i32
    %scan3A_111 = scf.for %scan3A_113 = %scan3A_107 to %scan3A_109 step %scan3A_110 iter_args(%scan3A_114 = %scan3A_106) -> (i32)  : i32 {
      %shift_right_arithmetic3A = arith.constant 1 : i32
      %shift_right_arithmetic3A_115 = arith.shrsi %scan3A_113, %shift_right_arithmetic3A : i32
      %and3A = arith.constant 1 : i32
      %and3A_116 = arith.andi %scan3A_113, %and3A : i32
      %mul3A_117 = arith.constant 16 : i32
      %mul3A_118 = arith.muli %and3A_116, %mul3A_117 : i32
      %add3A_119 = arith.constant 0 : i32
      %add3A_120 = arith.addi %mul3A_118, %add3A_119 : i32
      %mul3A_121 = arith.constant 16 : i32
      %mul3A_122 = arith.muli %add3A_120, %mul3A_121 : i32
      %add3A_123 = arith.constant 0 : i32
      %add3A_124 = arith.addi %mul3A_118, %add3A_123 : i32
      %add3A_125 = arith.constant 1 : i32
      %add3A_126 = arith.addi %add3A_124, %add3A_125 : i32
      %mul3A_127 = arith.constant 16 : i32
      %mul3A_128 = arith.muli %add3A_126, %mul3A_127 : i32
      %get3A = arith.index_cast %shift_right_arithmetic3A_115 : i32 to index
      %get3A_129 = arith.index_cast %mul3A_122 : i32 to index
      %get3A_130 = tpu.vector_load %arg6[%get3A, %get3A_129] {strides = array<i32>} : memref<16x512xf32, #tpu.memory_space<vmem>>, vector<16xf32>,
      %get3A_131 = arith.index_cast %shift_right_arithmetic3A_115 : i32 to index
      %get3A_132 = arith.index_cast %mul3A_122 : i32 to index
      %get3A_133 = tpu.vector_load %arg7[%get3A_131, %get3A_132] {strides = array<i32>} : memref<16x512xf32, #tpu.memory_space<vmem>>, vector<16xf32>,
      %get3A_134 = arith.index_cast %shift_right_arithmetic3A_115 : i32 to index
      %get3A_135 = arith.index_cast %mul3A_122 : i32 to index
      %get3A_136 = tpu.vector_load %arg8[%get3A_134, %get3A_135] {strides = array<i32>} : memref<16x512xf32, #tpu.memory_space<vmem>>, vector<16xf32>,
      %get3A_137 = arith.index_cast %shift_right_arithmetic3A_115 : i32 to index
      %get3A_138 = arith.index_cast %mul3A_122 : i32 to index
      %get3A_139 = tpu.vector_load %arg9[%get3A_137, %get3A_138] {strides = array<i32>} : memref<16x512xf32, #tpu.memory_space<vmem>>, vector<16xf32>,
      %get3A_140 = arith.index_cast %shift_right_arithmetic3A_115 : i32 to index
      %get3A_141 = arith.index_cast %mul3A_122 : i32 to index
      %get3A_142 = tpu.vector_load %arg10[%get3A_140, %get3A_141] {strides = array<i32>} : memref<16x512xf32, #tpu.memory_space<vmem>>, vector<16xf32>,
      %get3A_143 = arith.index_cast %shift_right_arithmetic3A_115 : i32 to index
      %get3A_144 = arith.index_cast %mul3A_122 : i32 to index
      %get3A_145 = tpu.vector_load %arg11[%get3A_143, %get3A_144] {strides = array<i32>} : memref<16x512xf32, #tpu.memory_space<vmem>>, vector<16xf32>,
      %get3A_146 = arith.index_cast %shift_right_arithmetic3A_115 : i32 to index
      %get3A_147 = arith.index_cast %mul3A_128 : i32 to index
      %get3A_148 = tpu.vector_load %arg6[%get3A_146, %get3A_147] {strides = array<i32>} : memref<16x512xf32, #tpu.memory_space<vmem>>, vector<16xf32>,
      %get3A_149 = arith.index_cast %shift_right_arithmetic3A_115 : i32 to index
      %get3A_150 = arith.index_cast %mul3A_128 : i32 to index
      %get3A_151 = tpu.vector_load %arg7[%get3A_149, %get3A_150] {strides = array<i32>} : memref<16x512xf32, #tpu.memory_space<vmem>>, vector<16xf32>,
      %get3A_152 = arith.index_cast %shift_right_arithmetic3A_115 : i32 to index
      %get3A_153 = arith.index_cast %mul3A_128 : i32 to index
      %get3A_154 = tpu.vector_load %arg8[%get3A_152, %get3A_153] {strides = array<i32>} : memref<16x512xf32, #tpu.memory_space<vmem>>, vector<16xf32>,
      %get3A_155 = arith.index_cast %shift_right_arithmetic3A_115 : i32 to index
      %get3A_156 = arith.index_cast %mul3A_128 : i32 to index
      %get3A_157 = tpu.vector_load %arg9[%get3A_155, %get3A_156] {strides = array<i32>} : memref<16x512xf32, #tpu.memory_space<vmem>>, vector<16xf32>,
      %get3A_158 = arith.index_cast %shift_right_arithmetic3A_115 : i32 to index
      %get3A_159 = arith.index_cast %mul3A_128 : i32 to index
      %get3A_160 = tpu.vector_load %arg10[%get3A_158, %get3A_159] {strides = array<i32>} : memref<16x512xf32, #tpu.memory_space<vmem>>, vector<16xf32>,
      %get3A_161 = arith.index_cast %shift_right_arithmetic3A_115 : i32 to index
      %get3A_162 = arith.index_cast %mul3A_128 : i32 to index
      %get3A_163 = tpu.vector_load %arg11[%get3A_161, %get3A_162] {strides = array<i32>} : memref<16x512xf32, #tpu.memory_space<vmem>>, vector<16xf32>,
      %mul3A_164 = arith.constant 2.560000e+02 : f32
      %mul3A_165 = vector.broadcast %mul3A_164 : f32 to vector<16xf32>
      %mul3A_166 = arith.mulf %get3A_130, %mul3A_165 : vector<16xf32>
      %mul3A_167 = arith.constant 1.600000e+01 : f32
      %mul3A_168 = vector.broadcast %mul3A_167 : f32 to vector<16xf32>
      %mul3A_169 = arith.mulf %get3A_133, %mul3A_168 : vector<16xf32>
      %add3A_170 = arith.addf %mul3A_166, %mul3A_169 : vector<16xf32>
      %add3A_171 = arith.addf %add3A_170, %get3A_136 : vector<16xf32>
      %convert_element_type3A = arith.fptosi %add3A_171 : vector<16xf32> to vector<16xi32>
      %mul3A_172 = arith.constant 2.560000e+02 : f32
      %mul3A_173 = vector.broadcast %mul3A_172 : f32 to vector<16xf32>
      %mul3A_174 = arith.mulf %get3A_139, %mul3A_173 : vector<16xf32>
      %mul3A_175 = arith.constant 1.600000e+01 : f32
      %mul3A_176 = vector.broadcast %mul3A_175 : f32 to vector<16xf32>
      %mul3A_177 = arith.mulf %get3A_142, %mul3A_176 : vector<16xf32>
      %add3A_178 = arith.addf %mul3A_174, %mul3A_177 : vector<16xf32>
      %add3A_179 = arith.addf %add3A_178, %get3A_145 : vector<16xf32>
      %convert_element_type3A_180 = arith.fptosi %add3A_179 : vector<16xf32> to vector<16xi32>
      %mul3A_181 = arith.constant 2.560000e+02 : f32
      %mul3A_182 = vector.broadcast %mul3A_181 : f32 to vector<16xf32>
      %mul3A_183 = arith.mulf %get3A_148, %mul3A_182 : vector<16xf32>
      %mul3A_184 = arith.constant 1.600000e+01 : f32
      %mul3A_185 = vector.broadcast %mul3A_184 : f32 to vector<16xf32>
      %mul3A_186 = arith.mulf %get3A_151, %mul3A_185 : vector<16xf32>
      %add3A_187 = arith.addf %mul3A_183, %mul3A_186 : vector<16xf32>
      %add3A_188 = arith.addf %add3A_187, %get3A_154 : vector<16xf32>
      %convert_element_type3A_189 = arith.fptosi %add3A_188 : vector<16xf32> to vector<16xi32>
      %mul3A_190 = arith.constant 2.560000e+02 : f32
      %mul3A_191 = vector.broadcast %mul3A_190 : f32 to vector<16xf32>
      %mul3A_192 = arith.mulf %get3A_157, %mul3A_191 : vector<16xf32>
      %mul3A_193 = arith.constant 1.600000e+01 : f32
      %mul3A_194 = vector.broadcast %mul3A_193 : f32 to vector<16xf32>
      %mul3A_195 = arith.mulf %get3A_160, %mul3A_194 : vector<16xf32>
      %add3A_196 = arith.addf %mul3A_192, %mul3A_195 : vector<16xf32>
      %add3A_197 = arith.addf %add3A_196, %get3A_163 : vector<16xf32>
      %convert_element_type3A_198 = arith.fptosi %add3A_197 : vector<16xf32> to vector<16xi32>
      %and3A_199 = arith.constant 7 : i32
      %and3A_200 = vector.broadcast %and3A_199 : i32 to vector<16xi32>
      %and3A_201 = arith.andi %convert_element_type3A, %and3A_200 : vector<16xi32>
      %shift_left3A = arith.constant 9 : i32
      %shift_left3A_202 = vector.broadcast %shift_left3A : i32 to vector<16xi32>
      %shift_left3A_203 = arith.shli %and3A_201, %shift_left3A_202 : vector<16xi32>
      %shift_right_arithmetic3A_204 = arith.constant 3 : i32
      %shift_right_arithmetic3A_205 = vector.broadcast %shift_right_arithmetic3A_204 : i32 to vector<16xi32>
      %shift_right_arithmetic3A_206 = arith.shrsi %convert_element_type3A, %shift_right_arithmetic3A_205 : vector<16xi32>
      %or3A = arith.ori %shift_left3A_203, %shift_right_arithmetic3A_206 : vector<16xi32>
      %and3A_207 = arith.constant 7 : i32
      %and3A_208 = vector.broadcast %and3A_207 : i32 to vector<16xi32>
      %and3A_209 = arith.andi %convert_element_type3A_180, %and3A_208 : vector<16xi32>
      %shift_left3A_210 = arith.constant 9 : i32
      %shift_left3A_211 = vector.broadcast %shift_left3A_210 : i32 to vector<16xi32>
      %shift_left3A_212 = arith.shli %and3A_209, %shift_left3A_211 : vector<16xi32>
      %shift_right_arithmetic3A_213 = arith.constant 3 : i32
      %shift_right_arithmetic3A_214 = vector.broadcast %shift_right_arithmetic3A_213 : i32 to vector<16xi32>
      %shift_right_arithmetic3A_215 = arith.shrsi %convert_element_type3A_180, %shift_right_arithmetic3A_214 : vector<16xi32>
      %or3A_216 = arith.ori %shift_left3A_212, %shift_right_arithmetic3A_215 : vector<16xi32>
      %and3A_217 = arith.constant 7 : i32
      %and3A_218 = vector.broadcast %and3A_217 : i32 to vector<16xi32>
      %and3A_219 = arith.andi %convert_element_type3A_189, %and3A_218 : vector<16xi32>
      %shift_left3A_220 = arith.constant 9 : i32
      %shift_left3A_221 = vector.broadcast %shift_left3A_220 : i32 to vector<16xi32>
      %shift_left3A_222 = arith.shli %and3A_219, %shift_left3A_221 : vector<16xi32>
      %shift_right_arithmetic3A_223 = arith.constant 3 : i32
      %shift_right_arithmetic3A_224 = vector.broadcast %shift_right_arithmetic3A_223 : i32 to vector<16xi32>
      %shift_right_arithmetic3A_225 = arith.shrsi %convert_element_type3A_189, %shift_right_arithmetic3A_224 : vector<16xi32>
      %or3A_226 = arith.ori %shift_left3A_222, %shift_right_arithmetic3A_225 : vector<16xi32>
      %and3A_227 = arith.constant 7 : i32
      %and3A_228 = vector.broadcast %and3A_227 : i32 to vector<16xi32>
      %and3A_229 = arith.andi %convert_element_type3A_198, %and3A_228 : vector<16xi32>
      %shift_left3A_230 = arith.constant 9 : i32
      %shift_left3A_231 = vector.broadcast %shift_left3A_230 : i32 to vector<16xi32>
      %shift_left3A_232 = arith.shli %and3A_229, %shift_left3A_231 : vector<16xi32>
      %shift_right_arithmetic3A_233 = arith.constant 3 : i32
      %shift_right_arithmetic3A_234 = vector.broadcast %shift_right_arithmetic3A_233 : i32 to vector<16xi32>
      %shift_right_arithmetic3A_235 = arith.shrsi %convert_element_type3A_198, %shift_right_arithmetic3A_234 : vector<16xi32>
      %or3A_236 = arith.ori %shift_left3A_232, %shift_right_arithmetic3A_235 : vector<16xi32>
      tpu.vector_store_idx %arg12[%or3A], %broadcast_in_dim3A_105 {add = true} : memref<4096xf32, #tpu.memory_space<vmem>>[vector<16xi32>], vector<16xf32>,
      tpu.vector_store_idx %arg13[%or3A_216], %broadcast_in_dim3A_105 {add = true} : memref<4096xf32, #tpu.memory_space<vmem>>[vector<16xi32>], vector<16xf32>,
      tpu.vector_store_idx %arg12[%or3A_226], %broadcast_in_dim3A_105 {add = true} : memref<4096xf32, #tpu.memory_space<vmem>>[vector<16xi32>], vector<16xf32>,
      tpu.vector_store_idx %arg13[%or3A_236], %broadcast_in_dim3A_105 {add = true} : memref<4096xf32, #tpu.memory_space<vmem>>[vector<16xi32>], vector<16xf32>,
      %add3A_237 = arith.constant 2 : i32
      %add3A_238 = arith.addi %mul3A_118, %add3A_237 : i32
      %mul3A_239 = arith.constant 16 : i32
      %mul3A_240 = arith.muli %add3A_238, %mul3A_239 : i32
      %add3A_241 = arith.constant 2 : i32
      %add3A_242 = arith.addi %mul3A_118, %add3A_241 : i32
      %add3A_243 = arith.constant 1 : i32
      %add3A_244 = arith.addi %add3A_242, %add3A_243 : i32
      %mul3A_245 = arith.constant 16 : i32
      %mul3A_246 = arith.muli %add3A_244, %mul3A_245 : i32
      %get3A_247 = arith.index_cast %shift_right_arithmetic3A_115 : i32 to index
      %get3A_248 = arith.index_cast %mul3A_240 : i32 to index
      %get3A_249 = tpu.vector_load %arg6[%get3A_247, %get3A_248] {strides = array<i32>} : memref<16x512xf32, #tpu.memory_space<vmem>>, vector<16xf32>,
      %get3A_250 = arith.index_cast %shift_right_arithmetic3A_115 : i32 to index
      %get3A_251 = arith.index_cast %mul3A_240 : i32 to index
      %get3A_252 = tpu.vector_load %arg7[%get3A_250, %get3A_251] {strides = array<i32>} : memref<16x512xf32, #tpu.memory_space<vmem>>, vector<16xf32>,
      %get3A_253 = arith.index_cast %shift_right_arithmetic3A_115 : i32 to index
      %get3A_254 = arith.index_cast %mul3A_240 : i32 to index
      %get3A_255 = tpu.vector_load %arg8[%get3A_253, %get3A_254] {strides = array<i32>} : memref<16x512xf32, #tpu.memory_space<vmem>>, vector<16xf32>,
      %get3A_256 = arith.index_cast %shift_right_arithmetic3A_115 : i32 to index
      %get3A_257 = arith.index_cast %mul3A_240 : i32 to index
      %get3A_258 = tpu.vector_load %arg9[%get3A_256, %get3A_257] {strides = array<i32>} : memref<16x512xf32, #tpu.memory_space<vmem>>, vector<16xf32>,
      %get3A_259 = arith.index_cast %shift_right_arithmetic3A_115 : i32 to index
      %get3A_260 = arith.index_cast %mul3A_240 : i32 to index
      %get3A_261 = tpu.vector_load %arg10[%get3A_259, %get3A_260] {strides = array<i32>} : memref<16x512xf32, #tpu.memory_space<vmem>>, vector<16xf32>,
      %get3A_262 = arith.index_cast %shift_right_arithmetic3A_115 : i32 to index
      %get3A_263 = arith.index_cast %mul3A_240 : i32 to index
      %get3A_264 = tpu.vector_load %arg11[%get3A_262, %get3A_263] {strides = array<i32>} : memref<16x512xf32, #tpu.memory_space<vmem>>, vector<16xf32>,
      %get3A_265 = arith.index_cast %shift_right_arithmetic3A_115 : i32 to index
      %get3A_266 = arith.index_cast %mul3A_246 : i32 to index
      %get3A_267 = tpu.vector_load %arg6[%get3A_265, %get3A_266] {strides = array<i32>} : memref<16x512xf32, #tpu.memory_space<vmem>>, vector<16xf32>,
      %get3A_268 = arith.index_cast %shift_right_arithmetic3A_115 : i32 to index
      %get3A_269 = arith.index_cast %mul3A_246 : i32 to index
      %get3A_270 = tpu.vector_load %arg7[%get3A_268, %get3A_269] {strides = array<i32>} : memref<16x512xf32, #tpu.memory_space<vmem>>, vector<16xf32>,
      %get3A_271 = arith.index_cast %shift_right_arithmetic3A_115 : i32 to index
      %get3A_272 = arith.index_cast %mul3A_246 : i32 to index
      %get3A_273 = tpu.vector_load %arg8[%get3A_271, %get3A_272] {strides = array<i32>} : memref<16x512xf32, #tpu.memory_space<vmem>>, vector<16xf32>,
      %get3A_274 = arith.index_cast %shift_right_arithmetic3A_115 : i32 to index
      %get3A_275 = arith.index_cast %mul3A_246 : i32 to index
      %get3A_276 = tpu.vector_load %arg9[%get3A_274, %get3A_275] {strides = array<i32>} : memref<16x512xf32, #tpu.memory_space<vmem>>, vector<16xf32>,
      %get3A_277 = arith.index_cast %shift_right_arithmetic3A_115 : i32 to index
      %get3A_278 = arith.index_cast %mul3A_246 : i32 to index
      %get3A_279 = tpu.vector_load %arg10[%get3A_277, %get3A_278] {strides = array<i32>} : memref<16x512xf32, #tpu.memory_space<vmem>>, vector<16xf32>,
      %get3A_280 = arith.index_cast %shift_right_arithmetic3A_115 : i32 to index
      %get3A_281 = arith.index_cast %mul3A_246 : i32 to index
      %get3A_282 = tpu.vector_load %arg11[%get3A_280, %get3A_281] {strides = array<i32>} : memref<16x512xf32, #tpu.memory_space<vmem>>, vector<16xf32>,
      %mul3A_283 = arith.constant 2.560000e+02 : f32
      %mul3A_284 = vector.broadcast %mul3A_283 : f32 to vector<16xf32>
      %mul3A_285 = arith.mulf %get3A_249, %mul3A_284 : vector<16xf32>
      %mul3A_286 = arith.constant 1.600000e+01 : f32
      %mul3A_287 = vector.broadcast %mul3A_286 : f32 to vector<16xf32>
      %mul3A_288 = arith.mulf %get3A_252, %mul3A_287 : vector<16xf32>
      %add3A_289 = arith.addf %mul3A_285, %mul3A_288 : vector<16xf32>
      %add3A_290 = arith.addf %add3A_289, %get3A_255 : vector<16xf32>
      %convert_element_type3A_291 = arith.fptosi %add3A_290 : vector<16xf32> to vector<16xi32>
      %mul3A_292 = arith.constant 2.560000e+02 : f32
      %mul3A_293 = vector.broadcast %mul3A_292 : f32 to vector<16xf32>
      %mul3A_294 = arith.mulf %get3A_258, %mul3A_293 : vector<16xf32>
      %mul3A_295 = arith.constant 1.600000e+01 : f32
      %mul3A_296 = vector.broadcast %mul3A_295 : f32 to vector<16xf32>
      %mul3A_297 = arith.mulf %get3A_261, %mul3A_296 : vector<16xf32>
      %add3A_298 = arith.addf %mul3A_294, %mul3A_297 : vector<16xf32>
      %add3A_299 = arith.addf %add3A_298, %get3A_264 : vector<16xf32>
      %convert_element_type3A_300 = arith.fptosi %add3A_299 : vector<16xf32> to vector<16xi32>
      %mul3A_301 = arith.constant 2.560000e+02 : f32
      %mul3A_302 = vector.broadcast %mul3A_301 : f32 to vector<16xf32>
      %mul3A_303 = arith.mulf %get3A_267, %mul3A_302 : vector<16xf32>
      %mul3A_304 = arith.constant 1.600000e+01 : f32
      %mul3A_305 = vector.broadcast %mul3A_304 : f32 to vector<16xf32>
      %mul3A_306 = arith.mulf %get3A_270, %mul3A_305 : vector<16xf32>
      %add3A_307 = arith.addf %mul3A_303, %mul3A_306 : vector<16xf32>
      %add3A_308 = arith.addf %add3A_307, %get3A_273 : vector<16xf32>
      %convert_element_type3A_309 = arith.fptosi %add3A_308 : vector<16xf32> to vector<16xi32>
      %mul3A_310 = arith.constant 2.560000e+02 : f32
      %mul3A_311 = vector.broadcast %mul3A_310 : f32 to vector<16xf32>
      %mul3A_312 = arith.mulf %get3A_276, %mul3A_311 : vector<16xf32>
      %mul3A_313 = arith.constant 1.600000e+01 : f32
      %mul3A_314 = vector.broadcast %mul3A_313 : f32 to vector<16xf32>
      %mul3A_315 = arith.mulf %get3A_279, %mul3A_314 : vector<16xf32>
      %add3A_316 = arith.addf %mul3A_312, %mul3A_315 : vector<16xf32>
      %add3A_317 = arith.addf %add3A_316, %get3A_282 : vector<16xf32>
      %convert_element_type3A_318 = arith.fptosi %add3A_317 : vector<16xf32> to vector<16xi32>
      %and3A_319 = arith.constant 7 : i32
      %and3A_320 = vector.broadcast %and3A_319 : i32 to vector<16xi32>
      %and3A_321 = arith.andi %convert_element_type3A_291, %and3A_320 : vector<16xi32>
      %shift_left3A_322 = arith.constant 9 : i32
      %shift_left3A_323 = vector.broadcast %shift_left3A_322 : i32 to vector<16xi32>
      %shift_left3A_324 = arith.shli %and3A_321, %shift_left3A_323 : vector<16xi32>
      %shift_right_arithmetic3A_325 = arith.constant 3 : i32
      %shift_right_arithmetic3A_326 = vector.broadcast %shift_right_arithmetic3A_325 : i32 to vector<16xi32>
      %shift_right_arithmetic3A_327 = arith.shrsi %convert_element_type3A_291, %shift_right_arithmetic3A_326 : vector<16xi32>
      %or3A_328 = arith.ori %shift_left3A_324, %shift_right_arithmetic3A_327 : vector<16xi32>
      %and3A_329 = arith.constant 7 : i32
      %and3A_330 = vector.broadcast %and3A_329 : i32 to vector<16xi32>
      %and3A_331 = arith.andi %convert_element_type3A_300, %and3A_330 : vector<16xi32>
      %shift_left3A_332 = arith.constant 9 : i32
      %shift_left3A_333 = vector.broadcast %shift_left3A_332 : i32 to vector<16xi32>
      %shift_left3A_334 = arith.shli %and3A_331, %shift_left3A_333 : vector<16xi32>
      %shift_right_arithmetic3A_335 = arith.constant 3 : i32
      %shift_right_arithmetic3A_336 = vector.broadcast %shift_right_arithmetic3A_335 : i32 to vector<16xi32>
      %shift_right_arithmetic3A_337 = arith.shrsi %convert_element_type3A_300, %shift_right_arithmetic3A_336 : vector<16xi32>
      %or3A_338 = arith.ori %shift_left3A_334, %shift_right_arithmetic3A_337 : vector<16xi32>
      %and3A_339 = arith.constant 7 : i32
      %and3A_340 = vector.broadcast %and3A_339 : i32 to vector<16xi32>
      %and3A_341 = arith.andi %convert_element_type3A_309, %and3A_340 : vector<16xi32>
      %shift_left3A_342 = arith.constant 9 : i32
      %shift_left3A_343 = vector.broadcast %shift_left3A_342 : i32 to vector<16xi32>
      %shift_left3A_344 = arith.shli %and3A_341, %shift_left3A_343 : vector<16xi32>
      %shift_right_arithmetic3A_345 = arith.constant 3 : i32
      %shift_right_arithmetic3A_346 = vector.broadcast %shift_right_arithmetic3A_345 : i32 to vector<16xi32>
      %shift_right_arithmetic3A_347 = arith.shrsi %convert_element_type3A_309, %shift_right_arithmetic3A_346 : vector<16xi32>
      %or3A_348 = arith.ori %shift_left3A_344, %shift_right_arithmetic3A_347 : vector<16xi32>
      %and3A_349 = arith.constant 7 : i32
      %and3A_350 = vector.broadcast %and3A_349 : i32 to vector<16xi32>
      %and3A_351 = arith.andi %convert_element_type3A_318, %and3A_350 : vector<16xi32>
      %shift_left3A_352 = arith.constant 9 : i32
      %shift_left3A_353 = vector.broadcast %shift_left3A_352 : i32 to vector<16xi32>
      %shift_left3A_354 = arith.shli %and3A_351, %shift_left3A_353 : vector<16xi32>
      %shift_right_arithmetic3A_355 = arith.constant 3 : i32
      %shift_right_arithmetic3A_356 = vector.broadcast %shift_right_arithmetic3A_355 : i32 to vector<16xi32>
      %shift_right_arithmetic3A_357 = arith.shrsi %convert_element_type3A_318, %shift_right_arithmetic3A_356 : vector<16xi32>
      %or3A_358 = arith.ori %shift_left3A_354, %shift_right_arithmetic3A_357 : vector<16xi32>
      tpu.vector_store_idx %arg12[%or3A_328], %broadcast_in_dim3A_105 {add = true} : memref<4096xf32, #tpu.memory_space<vmem>>[vector<16xi32>], vector<16xf32>,
      tpu.vector_store_idx %arg13[%or3A_338], %broadcast_in_dim3A_105 {add = true} : memref<4096xf32, #tpu.memory_space<vmem>>[vector<16xi32>], vector<16xf32>,
      tpu.vector_store_idx %arg12[%or3A_348], %broadcast_in_dim3A_105 {add = true} : memref<4096xf32, #tpu.memory_space<vmem>>[vector<16xi32>], vector<16xf32>,
      tpu.vector_store_idx %arg13[%or3A_358], %broadcast_in_dim3A_105 {add = true} : memref<4096xf32, #tpu.memory_space<vmem>>[vector<16xi32>], vector<16xf32>,
      %add3A_359 = arith.constant 4 : i32
      %add3A_360 = arith.addi %mul3A_118, %add3A_359 : i32
      %mul3A_361 = arith.constant 16 : i32
      %mul3A_362 = arith.muli %add3A_360, %mul3A_361 : i32
      %add3A_363 = arith.constant 4 : i32
      %add3A_364 = arith.addi %mul3A_118, %add3A_363 : i32
      %add3A_365 = arith.constant 1 : i32
      %add3A_366 = arith.addi %add3A_364, %add3A_365 : i32
      %mul3A_367 = arith.constant 16 : i32
      %mul3A_368 = arith.muli %add3A_366, %mul3A_367 : i32
      %get3A_369 = arith.index_cast %shift_right_arithmetic3A_115 : i32 to index
      %get3A_370 = arith.index_cast %mul3A_362 : i32 to index
      %get3A_371 = tpu.vector_load %arg6[%get3A_369, %get3A_370] {strides = array<i32>} : memref<16x512xf32, #tpu.memory_space<vmem>>, vector<16xf32>,
      %get3A_372 = arith.index_cast %shift_right_arithmetic3A_115 : i32 to index
      %get3A_373 = arith.index_cast %mul3A_362 : i32 to index
      %get3A_374 = tpu.vector_load %arg7[%get3A_372, %get3A_373] {strides = array<i32>} : memref<16x512xf32, #tpu.memory_space<vmem>>, vector<16xf32>,
      %get3A_375 = arith.index_cast %shift_right_arithmetic3A_115 : i32 to index
      %get3A_376 = arith.index_cast %mul3A_362 : i32 to index
      %get3A_377 = tpu.vector_load %arg8[%get3A_375, %get3A_376] {strides = array<i32>} : memref<16x512xf32, #tpu.memory_space<vmem>>, vector<16xf32>,
      %get3A_378 = arith.index_cast %shift_right_arithmetic3A_115 : i32 to index
      %get3A_379 = arith.index_cast %mul3A_362 : i32 to index
      %get3A_380 = tpu.vector_load %arg9[%get3A_378, %get3A_379] {strides = array<i32>} : memref<16x512xf32, #tpu.memory_space<vmem>>, vector<16xf32>,
      %get3A_381 = arith.index_cast %shift_right_arithmetic3A_115 : i32 to index
      %get3A_382 = arith.index_cast %mul3A_362 : i32 to index
      %get3A_383 = tpu.vector_load %arg10[%get3A_381, %get3A_382] {strides = array<i32>} : memref<16x512xf32, #tpu.memory_space<vmem>>, vector<16xf32>,
      %get3A_384 = arith.index_cast %shift_right_arithmetic3A_115 : i32 to index
      %get3A_385 = arith.index_cast %mul3A_362 : i32 to index
      %get3A_386 = tpu.vector_load %arg11[%get3A_384, %get3A_385] {strides = array<i32>} : memref<16x512xf32, #tpu.memory_space<vmem>>, vector<16xf32>,
      %get3A_387 = arith.index_cast %shift_right_arithmetic3A_115 : i32 to index
      %get3A_388 = arith.index_cast %mul3A_368 : i32 to index
      %get3A_389 = tpu.vector_load %arg6[%get3A_387, %get3A_388] {strides = array<i32>} : memref<16x512xf32, #tpu.memory_space<vmem>>, vector<16xf32>,
      %get3A_390 = arith.index_cast %shift_right_arithmetic3A_115 : i32 to index
      %get3A_391 = arith.index_cast %mul3A_368 : i32 to index
      %get3A_392 = tpu.vector_load %arg7[%get3A_390, %get3A_391] {strides = array<i32>} : memref<16x512xf32, #tpu.memory_space<vmem>>, vector<16xf32>,
      %get3A_393 = arith.index_cast %shift_right_arithmetic3A_115 : i32 to index
      %get3A_394 = arith.index_cast %mul3A_368 : i32 to index
      %get3A_395 = tpu.vector_load %arg8[%get3A_393, %get3A_394] {strides = array<i32>} : memref<16x512xf32, #tpu.memory_space<vmem>>, vector<16xf32>,
      %get3A_396 = arith.index_cast %shift_right_arithmetic3A_115 : i32 to index
      %get3A_397 = arith.index_cast %mul3A_368 : i32 to index
      %get3A_398 = tpu.vector_load %arg9[%get3A_396, %get3A_397] {strides = array<i32>} : memref<16x512xf32, #tpu.memory_space<vmem>>, vector<16xf32>,
      %get3A_399 = arith.index_cast %shift_right_arithmetic3A_115 : i32 to index
      %get3A_400 = arith.index_cast %mul3A_368 : i32 to index
      %get3A_401 = tpu.vector_load %arg10[%get3A_399, %get3A_400] {strides = array<i32>} : memref<16x512xf32, #tpu.memory_space<vmem>>, vector<16xf32>,
      %get3A_402 = arith.index_cast %shift_right_arithmetic3A_115 : i32 to index
      %get3A_403 = arith.index_cast %mul3A_368 : i32 to index
      %get3A_404 = tpu.vector_load %arg11[%get3A_402, %get3A_403] {strides = array<i32>} : memref<16x512xf32, #tpu.memory_space<vmem>>, vector<16xf32>,
      %mul3A_405 = arith.constant 2.560000e+02 : f32
      %mul3A_406 = vector.broadcast %mul3A_405 : f32 to vector<16xf32>
      %mul3A_407 = arith.mulf %get3A_371, %mul3A_406 : vector<16xf32>
      %mul3A_408 = arith.constant 1.600000e+01 : f32
      %mul3A_409 = vector.broadcast %mul3A_408 : f32 to vector<16xf32>
      %mul3A_410 = arith.mulf %get3A_374, %mul3A_409 : vector<16xf32>
      %add3A_411 = arith.addf %mul3A_407, %mul3A_410 : vector<16xf32>
      %add3A_412 = arith.addf %add3A_411, %get3A_377 : vector<16xf32>
      %convert_element_type3A_413 = arith.fptosi %add3A_412 : vector<16xf32> to vector<16xi32>
      %mul3A_414 = arith.constant 2.560000e+02 : f32
      %mul3A_415 = vector.broadcast %mul3A_414 : f32 to vector<16xf32>
      %mul3A_416 = arith.mulf %get3A_380, %mul3A_415 : vector<16xf32>
      %mul3A_417 = arith.constant 1.600000e+01 : f32
      %mul3A_418 = vector.broadcast %mul3A_417 : f32 to vector<16xf32>
      %mul3A_419 = arith.mulf %get3A_383, %mul3A_418 : vector<16xf32>
      %add3A_420 = arith.addf %mul3A_416, %mul3A_419 : vector<16xf32>
      %add3A_421 = arith.addf %add3A_420, %get3A_386 : vector<16xf32>
      %convert_element_type3A_422 = arith.fptosi %add3A_421 : vector<16xf32> to vector<16xi32>
      %mul3A_423 = arith.constant 2.560000e+02 : f32
      %mul3A_424 = vector.broadcast %mul3A_423 : f32 to vector<16xf32>
      %mul3A_425 = arith.mulf %get3A_389, %mul3A_424 : vector<16xf32>
      %mul3A_426 = arith.constant 1.600000e+01 : f32
      %mul3A_427 = vector.broadcast %mul3A_426 : f32 to vector<16xf32>
      %mul3A_428 = arith.mulf %get3A_392, %mul3A_427 : vector<16xf32>
      %add3A_429 = arith.addf %mul3A_425, %mul3A_428 : vector<16xf32>
      %add3A_430 = arith.addf %add3A_429, %get3A_395 : vector<16xf32>
      %convert_element_type3A_431 = arith.fptosi %add3A_430 : vector<16xf32> to vector<16xi32>
      %mul3A_432 = arith.constant 2.560000e+02 : f32
      %mul3A_433 = vector.broadcast %mul3A_432 : f32 to vector<16xf32>
      %mul3A_434 = arith.mulf %get3A_398, %mul3A_433 : vector<16xf32>
      %mul3A_435 = arith.constant 1.600000e+01 : f32
      %mul3A_436 = vector.broadcast %mul3A_435 : f32 to vector<16xf32>
      %mul3A_437 = arith.mulf %get3A_401, %mul3A_436 : vector<16xf32>
      %add3A_438 = arith.addf %mul3A_434, %mul3A_437 : vector<16xf32>
      %add3A_439 = arith.addf %add3A_438, %get3A_404 : vector<16xf32>
      %convert_element_type3A_440 = arith.fptosi %add3A_439 : vector<16xf32> to vector<16xi32>
      %and3A_441 = arith.constant 7 : i32
      %and3A_442 = vector.broadcast %and3A_441 : i32 to vector<16xi32>
      %and3A_443 = arith.andi %convert_element_type3A_413, %and3A_442 : vector<16xi32>
      %shift_left3A_444 = arith.constant 9 : i32
      %shift_left3A_445 = vector.broadcast %shift_left3A_444 : i32 to vector<16xi32>
      %shift_left3A_446 = arith.shli %and3A_443, %shift_left3A_445 : vector<16xi32>
      %shift_right_arithmetic3A_447 = arith.constant 3 : i32
      %shift_right_arithmetic3A_448 = vector.broadcast %shift_right_arithmetic3A_447 : i32 to vector<16xi32>
      %shift_right_arithmetic3A_449 = arith.shrsi %convert_element_type3A_413, %shift_right_arithmetic3A_448 : vector<16xi32>
      %or3A_450 = arith.ori %shift_left3A_446, %shift_right_arithmetic3A_449 : vector<16xi32>
      %and3A_451 = arith.constant 7 : i32
      %and3A_452 = vector.broadcast %and3A_451 : i32 to vector<16xi32>
      %and3A_453 = arith.andi %convert_element_type3A_422, %and3A_452 : vector<16xi32>
      %shift_left3A_454 = arith.constant 9 : i32
      %shift_left3A_455 = vector.broadcast %shift_left3A_454 : i32 to vector<16xi32>
      %shift_left3A_456 = arith.shli %and3A_453, %shift_left3A_455 : vector<16xi32>
      %shift_right_arithmetic3A_457 = arith.constant 3 : i32
      %shift_right_arithmetic3A_458 = vector.broadcast %shift_right_arithmetic3A_457 : i32 to vector<16xi32>
      %shift_right_arithmetic3A_459 = arith.shrsi %convert_element_type3A_422, %shift_right_arithmetic3A_458 : vector<16xi32>
      %or3A_460 = arith.ori %shift_left3A_456, %shift_right_arithmetic3A_459 : vector<16xi32>
      %and3A_461 = arith.constant 7 : i32
      %and3A_462 = vector.broadcast %and3A_461 : i32 to vector<16xi32>
      %and3A_463 = arith.andi %convert_element_type3A_431, %and3A_462 : vector<16xi32>
      %shift_left3A_464 = arith.constant 9 : i32
      %shift_left3A_465 = vector.broadcast %shift_left3A_464 : i32 to vector<16xi32>
      %shift_left3A_466 = arith.shli %and3A_463, %shift_left3A_465 : vector<16xi32>
      %shift_right_arithmetic3A_467 = arith.constant 3 : i32
      %shift_right_arithmetic3A_468 = vector.broadcast %shift_right_arithmetic3A_467 : i32 to vector<16xi32>
      %shift_right_arithmetic3A_469 = arith.shrsi %convert_element_type3A_431, %shift_right_arithmetic3A_468 : vector<16xi32>
      %or3A_470 = arith.ori %shift_left3A_466, %shift_right_arithmetic3A_469 : vector<16xi32>
      %and3A_471 = arith.constant 7 : i32
      %and3A_472 = vector.broadcast %and3A_471 : i32 to vector<16xi32>
      %and3A_473 = arith.andi %convert_element_type3A_440, %and3A_472 : vector<16xi32>
      %shift_left3A_474 = arith.constant 9 : i32
      %shift_left3A_475 = vector.broadcast %shift_left3A_474 : i32 to vector<16xi32>
      %shift_left3A_476 = arith.shli %and3A_473, %shift_left3A_475 : vector<16xi32>
      %shift_right_arithmetic3A_477 = arith.constant 3 : i32
      %shift_right_arithmetic3A_478 = vector.broadcast %shift_right_arithmetic3A_477 : i32 to vector<16xi32>
      %shift_right_arithmetic3A_479 = arith.shrsi %convert_element_type3A_440, %shift_right_arithmetic3A_478 : vector<16xi32>
      %or3A_480 = arith.ori %shift_left3A_476, %shift_right_arithmetic3A_479 : vector<16xi32>
      tpu.vector_store_idx %arg12[%or3A_450], %broadcast_in_dim3A_105 {add = true} : memref<4096xf32, #tpu.memory_space<vmem>>[vector<16xi32>], vector<16xf32>,
      tpu.vector_store_idx %arg13[%or3A_460], %broadcast_in_dim3A_105 {add = true} : memref<4096xf32, #tpu.memory_space<vmem>>[vector<16xi32>], vector<16xf32>,
      tpu.vector_store_idx %arg12[%or3A_470], %broadcast_in_dim3A_105 {add = true} : memref<4096xf32, #tpu.memory_space<vmem>>[vector<16xi32>], vector<16xf32>,
      tpu.vector_store_idx %arg13[%or3A_480], %broadcast_in_dim3A_105 {add = true} : memref<4096xf32, #tpu.memory_space<vmem>>[vector<16xi32>], vector<16xf32>,
      %add3A_481 = arith.constant 6 : i32
      %add3A_482 = arith.addi %mul3A_118, %add3A_481 : i32
      %mul3A_483 = arith.constant 16 : i32
      %mul3A_484 = arith.muli %add3A_482, %mul3A_483 : i32
      %add3A_485 = arith.constant 6 : i32
      %add3A_486 = arith.addi %mul3A_118, %add3A_485 : i32
      %add3A_487 = arith.constant 1 : i32
      %add3A_488 = arith.addi %add3A_486, %add3A_487 : i32
      %mul3A_489 = arith.constant 16 : i32
      %mul3A_490 = arith.muli %add3A_488, %mul3A_489 : i32
      %get3A_491 = arith.index_cast %shift_right_arithmetic3A_115 : i32 to index
      %get3A_492 = arith.index_cast %mul3A_484 : i32 to index
      %get3A_493 = tpu.vector_load %arg6[%get3A_491, %get3A_492] {strides = array<i32>} : memref<16x512xf32, #tpu.memory_space<vmem>>, vector<16xf32>,
      %get3A_494 = arith.index_cast %shift_right_arithmetic3A_115 : i32 to index
      %get3A_495 = arith.index_cast %mul3A_484 : i32 to index
      %get3A_496 = tpu.vector_load %arg7[%get3A_494, %get3A_495] {strides = array<i32>} : memref<16x512xf32, #tpu.memory_space<vmem>>, vector<16xf32>,
      %get3A_497 = arith.index_cast %shift_right_arithmetic3A_115 : i32 to index
      %get3A_498 = arith.index_cast %mul3A_484 : i32 to index
      %get3A_499 = tpu.vector_load %arg8[%get3A_497, %get3A_498] {strides = array<i32>} : memref<16x512xf32, #tpu.memory_space<vmem>>, vector<16xf32>,
      %get3A_500 = arith.index_cast %shift_right_arithmetic3A_115 : i32 to index
      %get3A_501 = arith.index_cast %mul3A_484 : i32 to index
      %get3A_502 = tpu.vector_load %arg9[%get3A_500, %get3A_501] {strides = array<i32>} : memref<16x512xf32, #tpu.memory_space<vmem>>, vector<16xf32>,
      %get3A_503 = arith.index_cast %shift_right_arithmetic3A_115 : i32 to index
      %get3A_504 = arith.index_cast %mul3A_484 : i32 to index
      %get3A_505 = tpu.vector_load %arg10[%get3A_503, %get3A_504] {strides = array<i32>} : memref<16x512xf32, #tpu.memory_space<vmem>>, vector<16xf32>,
      %get3A_506 = arith.index_cast %shift_right_arithmetic3A_115 : i32 to index
      %get3A_507 = arith.index_cast %mul3A_484 : i32 to index
      %get3A_508 = tpu.vector_load %arg11[%get3A_506, %get3A_507] {strides = array<i32>} : memref<16x512xf32, #tpu.memory_space<vmem>>, vector<16xf32>,
      %get3A_509 = arith.index_cast %shift_right_arithmetic3A_115 : i32 to index
      %get3A_510 = arith.index_cast %mul3A_490 : i32 to index
      %get3A_511 = tpu.vector_load %arg6[%get3A_509, %get3A_510] {strides = array<i32>} : memref<16x512xf32, #tpu.memory_space<vmem>>, vector<16xf32>,
      %get3A_512 = arith.index_cast %shift_right_arithmetic3A_115 : i32 to index
      %get3A_513 = arith.index_cast %mul3A_490 : i32 to index
      %get3A_514 = tpu.vector_load %arg7[%get3A_512, %get3A_513] {strides = array<i32>} : memref<16x512xf32, #tpu.memory_space<vmem>>, vector<16xf32>,
      %get3A_515 = arith.index_cast %shift_right_arithmetic3A_115 : i32 to index
      %get3A_516 = arith.index_cast %mul3A_490 : i32 to index
      %get3A_517 = tpu.vector_load %arg8[%get3A_515, %get3A_516] {strides = array<i32>} : memref<16x512xf32, #tpu.memory_space<vmem>>, vector<16xf32>,
      %get3A_518 = arith.index_cast %shift_right_arithmetic3A_115 : i32 to index
      %get3A_519 = arith.index_cast %mul3A_490 : i32 to index
      %get3A_520 = tpu.vector_load %arg9[%get3A_518, %get3A_519] {strides = array<i32>} : memref<16x512xf32, #tpu.memory_space<vmem>>, vector<16xf32>,
      %get3A_521 = arith.index_cast %shift_right_arithmetic3A_115 : i32 to index
      %get3A_522 = arith.index_cast %mul3A_490 : i32 to index
      %get3A_523 = tpu.vector_load %arg10[%get3A_521, %get3A_522] {strides = array<i32>} : memref<16x512xf32, #tpu.memory_space<vmem>>, vector<16xf32>,
      %get3A_524 = arith.index_cast %shift_right_arithmetic3A_115 : i32 to index
      %get3A_525 = arith.index_cast %mul3A_490 : i32 to index
      %get3A_526 = tpu.vector_load %arg11[%get3A_524, %get3A_525] {strides = array<i32>} : memref<16x512xf32, #tpu.memory_space<vmem>>, vector<16xf32>,
      %mul3A_527 = arith.constant 2.560000e+02 : f32
      %mul3A_528 = vector.broadcast %mul3A_527 : f32 to vector<16xf32>
      %mul3A_529 = arith.mulf %get3A_493, %mul3A_528 : vector<16xf32>
      %mul3A_530 = arith.constant 1.600000e+01 : f32
      %mul3A_531 = vector.broadcast %mul3A_530 : f32 to vector<16xf32>
      %mul3A_532 = arith.mulf %get3A_496, %mul3A_531 : vector<16xf32>
      %add3A_533 = arith.addf %mul3A_529, %mul3A_532 : vector<16xf32>
      %add3A_534 = arith.addf %add3A_533, %get3A_499 : vector<16xf32>
      %convert_element_type3A_535 = arith.fptosi %add3A_534 : vector<16xf32> to vector<16xi32>
      %mul3A_536 = arith.constant 2.560000e+02 : f32
      %mul3A_537 = vector.broadcast %mul3A_536 : f32 to vector<16xf32>
      %mul3A_538 = arith.mulf %get3A_502, %mul3A_537 : vector<16xf32>
      %mul3A_539 = arith.constant 1.600000e+01 : f32
      %mul3A_540 = vector.broadcast %mul3A_539 : f32 to vector<16xf32>
      %mul3A_541 = arith.mulf %get3A_505, %mul3A_540 : vector<16xf32>
      %add3A_542 = arith.addf %mul3A_538, %mul3A_541 : vector<16xf32>
      %add3A_543 = arith.addf %add3A_542, %get3A_508 : vector<16xf32>
      %convert_element_type3A_544 = arith.fptosi %add3A_543 : vector<16xf32> to vector<16xi32>
      %mul3A_545 = arith.constant 2.560000e+02 : f32
      %mul3A_546 = vector.broadcast %mul3A_545 : f32 to vector<16xf32>
      %mul3A_547 = arith.mulf %get3A_511, %mul3A_546 : vector<16xf32>
      %mul3A_548 = arith.constant 1.600000e+01 : f32
      %mul3A_549 = vector.broadcast %mul3A_548 : f32 to vector<16xf32>
      %mul3A_550 = arith.mulf %get3A_514, %mul3A_549 : vector<16xf32>
      %add3A_551 = arith.addf %mul3A_547, %mul3A_550 : vector<16xf32>
      %add3A_552 = arith.addf %add3A_551, %get3A_517 : vector<16xf32>
      %convert_element_type3A_553 = arith.fptosi %add3A_552 : vector<16xf32> to vector<16xi32>
      %mul3A_554 = arith.constant 2.560000e+02 : f32
      %mul3A_555 = vector.broadcast %mul3A_554 : f32 to vector<16xf32>
      %mul3A_556 = arith.mulf %get3A_520, %mul3A_555 : vector<16xf32>
      %mul3A_557 = arith.constant 1.600000e+01 : f32
      %mul3A_558 = vector.broadcast %mul3A_557 : f32 to vector<16xf32>
      %mul3A_559 = arith.mulf %get3A_523, %mul3A_558 : vector<16xf32>
      %add3A_560 = arith.addf %mul3A_556, %mul3A_559 : vector<16xf32>
      %add3A_561 = arith.addf %add3A_560, %get3A_526 : vector<16xf32>
      %convert_element_type3A_562 = arith.fptosi %add3A_561 : vector<16xf32> to vector<16xi32>
      %and3A_563 = arith.constant 7 : i32
      %and3A_564 = vector.broadcast %and3A_563 : i32 to vector<16xi32>
      %and3A_565 = arith.andi %convert_element_type3A_535, %and3A_564 : vector<16xi32>
      %shift_left3A_566 = arith.constant 9 : i32
      %shift_left3A_567 = vector.broadcast %shift_left3A_566 : i32 to vector<16xi32>
      %shift_left3A_568 = arith.shli %and3A_565, %shift_left3A_567 : vector<16xi32>
      %shift_right_arithmetic3A_569 = arith.constant 3 : i32
      %shift_right_arithmetic3A_570 = vector.broadcast %shift_right_arithmetic3A_569 : i32 to vector<16xi32>
      %shift_right_arithmetic3A_571 = arith.shrsi %convert_element_type3A_535, %shift_right_arithmetic3A_570 : vector<16xi32>
      %or3A_572 = arith.ori %shift_left3A_568, %shift_right_arithmetic3A_571 : vector<16xi32>
      %and3A_573 = arith.constant 7 : i32
      %and3A_574 = vector.broadcast %and3A_573 : i32 to vector<16xi32>
      %and3A_575 = arith.andi %convert_element_type3A_544, %and3A_574 : vector<16xi32>
      %shift_left3A_576 = arith.constant 9 : i32
      %shift_left3A_577 = vector.broadcast %shift_left3A_576 : i32 to vector<16xi32>
      %shift_left3A_578 = arith.shli %and3A_575, %shift_left3A_577 : vector<16xi32>
      %shift_right_arithmetic3A_579 = arith.constant 3 : i32
      %shift_right_arithmetic3A_580 = vector.broadcast %shift_right_arithmetic3A_579 : i32 to vector<16xi32>
      %shift_right_arithmetic3A_581 = arith.shrsi %convert_element_type3A_544, %shift_right_arithmetic3A_580 : vector<16xi32>
      %or3A_582 = arith.ori %shift_left3A_578, %shift_right_arithmetic3A_581 : vector<16xi32>
      %and3A_583 = arith.constant 7 : i32
      %and3A_584 = vector.broadcast %and3A_583 : i32 to vector<16xi32>
      %and3A_585 = arith.andi %convert_element_type3A_553, %and3A_584 : vector<16xi32>
      %shift_left3A_586 = arith.constant 9 : i32
      %shift_left3A_587 = vector.broadcast %shift_left3A_586 : i32 to vector<16xi32>
      %shift_left3A_588 = arith.shli %and3A_585, %shift_left3A_587 : vector<16xi32>
      %shift_right_arithmetic3A_589 = arith.constant 3 : i32
      %shift_right_arithmetic3A_590 = vector.broadcast %shift_right_arithmetic3A_589 : i32 to vector<16xi32>
      %shift_right_arithmetic3A_591 = arith.shrsi %convert_element_type3A_553, %shift_right_arithmetic3A_590 : vector<16xi32>
      %or3A_592 = arith.ori %shift_left3A_588, %shift_right_arithmetic3A_591 : vector<16xi32>
      %and3A_593 = arith.constant 7 : i32
      %and3A_594 = vector.broadcast %and3A_593 : i32 to vector<16xi32>
      %and3A_595 = arith.andi %convert_element_type3A_562, %and3A_594 : vector<16xi32>
      %shift_left3A_596 = arith.constant 9 : i32
      %shift_left3A_597 = vector.broadcast %shift_left3A_596 : i32 to vector<16xi32>
      %shift_left3A_598 = arith.shli %and3A_595, %shift_left3A_597 : vector<16xi32>
      %shift_right_arithmetic3A_599 = arith.constant 3 : i32
      %shift_right_arithmetic3A_600 = vector.broadcast %shift_right_arithmetic3A_599 : i32 to vector<16xi32>
      %shift_right_arithmetic3A_601 = arith.shrsi %convert_element_type3A_562, %shift_right_arithmetic3A_600 : vector<16xi32>
      %or3A_602 = arith.ori %shift_left3A_598, %shift_right_arithmetic3A_601 : vector<16xi32>
      tpu.vector_store_idx %arg12[%or3A_572], %broadcast_in_dim3A_105 {add = true} : memref<4096xf32, #tpu.memory_space<vmem>>[vector<16xi32>], vector<16xf32>,
      tpu.vector_store_idx %arg13[%or3A_582], %broadcast_in_dim3A_105 {add = true} : memref<4096xf32, #tpu.memory_space<vmem>>[vector<16xi32>], vector<16xf32>,
      tpu.vector_store_idx %arg12[%or3A_592], %broadcast_in_dim3A_105 {add = true} : memref<4096xf32, #tpu.memory_space<vmem>>[vector<16xi32>], vector<16xf32>,
      tpu.vector_store_idx %arg13[%or3A_602], %broadcast_in_dim3A_105 {add = true} : memref<4096xf32, #tpu.memory_space<vmem>>[vector<16xi32>], vector<16xf32>,
      %add3A_603 = arith.constant 8 : i32
      %add3A_604 = arith.addi %mul3A_118, %add3A_603 : i32
      %mul3A_605 = arith.constant 16 : i32
      %mul3A_606 = arith.muli %add3A_604, %mul3A_605 : i32
      %add3A_607 = arith.constant 8 : i32
      %add3A_608 = arith.addi %mul3A_118, %add3A_607 : i32
      %add3A_609 = arith.constant 1 : i32
      %add3A_610 = arith.addi %add3A_608, %add3A_609 : i32
      %mul3A_611 = arith.constant 16 : i32
      %mul3A_612 = arith.muli %add3A_610, %mul3A_611 : i32
      %get3A_613 = arith.index_cast %shift_right_arithmetic3A_115 : i32 to index
      %get3A_614 = arith.index_cast %mul3A_606 : i32 to index
      %get3A_615 = tpu.vector_load %arg6[%get3A_613, %get3A_614] {strides = array<i32>} : memref<16x512xf32, #tpu.memory_space<vmem>>, vector<16xf32>,
      %get3A_616 = arith.index_cast %shift_right_arithmetic3A_115 : i32 to index
      %get3A_617 = arith.index_cast %mul3A_606 : i32 to index
      %get3A_618 = tpu.vector_load %arg7[%get3A_616, %get3A_617] {strides = array<i32>} : memref<16x512xf32, #tpu.memory_space<vmem>>, vector<16xf32>,
      %get3A_619 = arith.index_cast %shift_right_arithmetic3A_115 : i32 to index
      %get3A_620 = arith.index_cast %mul3A_606 : i32 to index
      %get3A_621 = tpu.vector_load %arg8[%get3A_619, %get3A_620] {strides = array<i32>} : memref<16x512xf32, #tpu.memory_space<vmem>>, vector<16xf32>,
      %get3A_622 = arith.index_cast %shift_right_arithmetic3A_115 : i32 to index
      %get3A_623 = arith.index_cast %mul3A_606 : i32 to index
      %get3A_624 = tpu.vector_load %arg9[%get3A_622, %get3A_623] {strides = array<i32>} : memref<16x512xf32, #tpu.memory_space<vmem>>, vector<16xf32>,
      %get3A_625 = arith.index_cast %shift_right_arithmetic3A_115 : i32 to index
      %get3A_626 = arith.index_cast %mul3A_606 : i32 to index
      %get3A_627 = tpu.vector_load %arg10[%get3A_625, %get3A_626] {strides = array<i32>} : memref<16x512xf32, #tpu.memory_space<vmem>>, vector<16xf32>,
      %get3A_628 = arith.index_cast %shift_right_arithmetic3A_115 : i32 to index
      %get3A_629 = arith.index_cast %mul3A_606 : i32 to index
      %get3A_630 = tpu.vector_load %arg11[%get3A_628, %get3A_629] {strides = array<i32>} : memref<16x512xf32, #tpu.memory_space<vmem>>, vector<16xf32>,
      %get3A_631 = arith.index_cast %shift_right_arithmetic3A_115 : i32 to index
      %get3A_632 = arith.index_cast %mul3A_612 : i32 to index
      %get3A_633 = tpu.vector_load %arg6[%get3A_631, %get3A_632] {strides = array<i32>} : memref<16x512xf32, #tpu.memory_space<vmem>>, vector<16xf32>,
      %get3A_634 = arith.index_cast %shift_right_arithmetic3A_115 : i32 to index
      %get3A_635 = arith.index_cast %mul3A_612 : i32 to index
      %get3A_636 = tpu.vector_load %arg7[%get3A_634, %get3A_635] {strides = array<i32>} : memref<16x512xf32, #tpu.memory_space<vmem>>, vector<16xf32>,
      %get3A_637 = arith.index_cast %shift_right_arithmetic3A_115 : i32 to index
      %get3A_638 = arith.index_cast %mul3A_612 : i32 to index
      %get3A_639 = tpu.vector_load %arg8[%get3A_637, %get3A_638] {strides = array<i32>} : memref<16x512xf32, #tpu.memory_space<vmem>>, vector<16xf32>,
      %get3A_640 = arith.index_cast %shift_right_arithmetic3A_115 : i32 to index
      %get3A_641 = arith.index_cast %mul3A_612 : i32 to index
      %get3A_642 = tpu.vector_load %arg9[%get3A_640, %get3A_641] {strides = array<i32>} : memref<16x512xf32, #tpu.memory_space<vmem>>, vector<16xf32>,
      %get3A_643 = arith.index_cast %shift_right_arithmetic3A_115 : i32 to index
      %get3A_644 = arith.index_cast %mul3A_612 : i32 to index
      %get3A_645 = tpu.vector_load %arg10[%get3A_643, %get3A_644] {strides = array<i32>} : memref<16x512xf32, #tpu.memory_space<vmem>>, vector<16xf32>,
      %get3A_646 = arith.index_cast %shift_right_arithmetic3A_115 : i32 to index
      %get3A_647 = arith.index_cast %mul3A_612 : i32 to index
      %get3A_648 = tpu.vector_load %arg11[%get3A_646, %get3A_647] {strides = array<i32>} : memref<16x512xf32, #tpu.memory_space<vmem>>, vector<16xf32>,
      %mul3A_649 = arith.constant 2.560000e+02 : f32
      %mul3A_650 = vector.broadcast %mul3A_649 : f32 to vector<16xf32>
      %mul3A_651 = arith.mulf %get3A_615, %mul3A_650 : vector<16xf32>
      %mul3A_652 = arith.constant 1.600000e+01 : f32
      %mul3A_653 = vector.broadcast %mul3A_652 : f32 to vector<16xf32>
      %mul3A_654 = arith.mulf %get3A_618, %mul3A_653 : vector<16xf32>
      %add3A_655 = arith.addf %mul3A_651, %mul3A_654 : vector<16xf32>
      %add3A_656 = arith.addf %add3A_655, %get3A_621 : vector<16xf32>
      %convert_element_type3A_657 = arith.fptosi %add3A_656 : vector<16xf32> to vector<16xi32>
      %mul3A_658 = arith.constant 2.560000e+02 : f32
      %mul3A_659 = vector.broadcast %mul3A_658 : f32 to vector<16xf32>
      %mul3A_660 = arith.mulf %get3A_624, %mul3A_659 : vector<16xf32>
      %mul3A_661 = arith.constant 1.600000e+01 : f32
      %mul3A_662 = vector.broadcast %mul3A_661 : f32 to vector<16xf32>
      %mul3A_663 = arith.mulf %get3A_627, %mul3A_662 : vector<16xf32>
      %add3A_664 = arith.addf %mul3A_660, %mul3A_663 : vector<16xf32>
      %add3A_665 = arith.addf %add3A_664, %get3A_630 : vector<16xf32>
      %convert_element_type3A_666 = arith.fptosi %add3A_665 : vector<16xf32> to vector<16xi32>
      %mul3A_667 = arith.constant 2.560000e+02 : f32
      %mul3A_668 = vector.broadcast %mul3A_667 : f32 to vector<16xf32>
      %mul3A_669 = arith.mulf %get3A_633, %mul3A_668 : vector<16xf32>
      %mul3A_670 = arith.constant 1.600000e+01 : f32
      %mul3A_671 = vector.broadcast %mul3A_670 : f32 to vector<16xf32>
      %mul3A_672 = arith.mulf %get3A_636, %mul3A_671 : vector<16xf32>
      %add3A_673 = arith.addf %mul3A_669, %mul3A_672 : vector<16xf32>
      %add3A_674 = arith.addf %add3A_673, %get3A_639 : vector<16xf32>
      %convert_element_type3A_675 = arith.fptosi %add3A_674 : vector<16xf32> to vector<16xi32>
      %mul3A_676 = arith.constant 2.560000e+02 : f32
      %mul3A_677 = vector.broadcast %mul3A_676 : f32 to vector<16xf32>
      %mul3A_678 = arith.mulf %get3A_642, %mul3A_677 : vector<16xf32>
      %mul3A_679 = arith.constant 1.600000e+01 : f32
      %mul3A_680 = vector.broadcast %mul3A_679 : f32 to vector<16xf32>
      %mul3A_681 = arith.mulf %get3A_645, %mul3A_680 : vector<16xf32>
      %add3A_682 = arith.addf %mul3A_678, %mul3A_681 : vector<16xf32>
      %add3A_683 = arith.addf %add3A_682, %get3A_648 : vector<16xf32>
      %convert_element_type3A_684 = arith.fptosi %add3A_683 : vector<16xf32> to vector<16xi32>
      %and3A_685 = arith.constant 7 : i32
      %and3A_686 = vector.broadcast %and3A_685 : i32 to vector<16xi32>
      %and3A_687 = arith.andi %convert_element_type3A_657, %and3A_686 : vector<16xi32>
      %shift_left3A_688 = arith.constant 9 : i32
      %shift_left3A_689 = vector.broadcast %shift_left3A_688 : i32 to vector<16xi32>
      %shift_left3A_690 = arith.shli %and3A_687, %shift_left3A_689 : vector<16xi32>
      %shift_right_arithmetic3A_691 = arith.constant 3 : i32
      %shift_right_arithmetic3A_692 = vector.broadcast %shift_right_arithmetic3A_691 : i32 to vector<16xi32>
      %shift_right_arithmetic3A_693 = arith.shrsi %convert_element_type3A_657, %shift_right_arithmetic3A_692 : vector<16xi32>
      %or3A_694 = arith.ori %shift_left3A_690, %shift_right_arithmetic3A_693 : vector<16xi32>
      %and3A_695 = arith.constant 7 : i32
      %and3A_696 = vector.broadcast %and3A_695 : i32 to vector<16xi32>
      %and3A_697 = arith.andi %convert_element_type3A_666, %and3A_696 : vector<16xi32>
      %shift_left3A_698 = arith.constant 9 : i32
      %shift_left3A_699 = vector.broadcast %shift_left3A_698 : i32 to vector<16xi32>
      %shift_left3A_700 = arith.shli %and3A_697, %shift_left3A_699 : vector<16xi32>
      %shift_right_arithmetic3A_701 = arith.constant 3 : i32
      %shift_right_arithmetic3A_702 = vector.broadcast %shift_right_arithmetic3A_701 : i32 to vector<16xi32>
      %shift_right_arithmetic3A_703 = arith.shrsi %convert_element_type3A_666, %shift_right_arithmetic3A_702 : vector<16xi32>
      %or3A_704 = arith.ori %shift_left3A_700, %shift_right_arithmetic3A_703 : vector<16xi32>
      %and3A_705 = arith.constant 7 : i32
      %and3A_706 = vector.broadcast %and3A_705 : i32 to vector<16xi32>
      %and3A_707 = arith.andi %convert_element_type3A_675, %and3A_706 : vector<16xi32>
      %shift_left3A_708 = arith.constant 9 : i32
      %shift_left3A_709 = vector.broadcast %shift_left3A_708 : i32 to vector<16xi32>
      %shift_left3A_710 = arith.shli %and3A_707, %shift_left3A_709 : vector<16xi32>
      %shift_right_arithmetic3A_711 = arith.constant 3 : i32
      %shift_right_arithmetic3A_712 = vector.broadcast %shift_right_arithmetic3A_711 : i32 to vector<16xi32>
      %shift_right_arithmetic3A_713 = arith.shrsi %convert_element_type3A_675, %shift_right_arithmetic3A_712 : vector<16xi32>
      %or3A_714 = arith.ori %shift_left3A_710, %shift_right_arithmetic3A_713 : vector<16xi32>
      %and3A_715 = arith.constant 7 : i32
      %and3A_716 = vector.broadcast %and3A_715 : i32 to vector<16xi32>
      %and3A_717 = arith.andi %convert_element_type3A_684, %and3A_716 : vector<16xi32>
      %shift_left3A_718 = arith.constant 9 : i32
      %shift_left3A_719 = vector.broadcast %shift_left3A_718 : i32 to vector<16xi32>
      %shift_left3A_720 = arith.shli %and3A_717, %shift_left3A_719 : vector<16xi32>
      %shift_right_arithmetic3A_721 = arith.constant 3 : i32
      %shift_right_arithmetic3A_722 = vector.broadcast %shift_right_arithmetic3A_721 : i32 to vector<16xi32>
      %shift_right_arithmetic3A_723 = arith.shrsi %convert_element_type3A_684, %shift_right_arithmetic3A_722 : vector<16xi32>
      %or3A_724 = arith.ori %shift_left3A_720, %shift_right_arithmetic3A_723 : vector<16xi32>
      tpu.vector_store_idx %arg12[%or3A_694], %broadcast_in_dim3A_105 {add = true} : memref<4096xf32, #tpu.memory_space<vmem>>[vector<16xi32>], vector<16xf32>,
      tpu.vector_store_idx %arg13[%or3A_704], %broadcast_in_dim3A_105 {add = true} : memref<4096xf32, #tpu.memory_space<vmem>>[vector<16xi32>], vector<16xf32>,
      tpu.vector_store_idx %arg12[%or3A_714], %broadcast_in_dim3A_105 {add = true} : memref<4096xf32, #tpu.memory_space<vmem>>[vector<16xi32>], vector<16xf32>,
      tpu.vector_store_idx %arg13[%or3A_724], %broadcast_in_dim3A_105 {add = true} : memref<4096xf32, #tpu.memory_space<vmem>>[vector<16xi32>], vector<16xf32>,
      %add3A_725 = arith.constant 10 : i32
      %add3A_726 = arith.addi %mul3A_118, %add3A_725 : i32
      %mul3A_727 = arith.constant 16 : i32
      %mul3A_728 = arith.muli %add3A_726, %mul3A_727 : i32
      %add3A_729 = arith.constant 10 : i32
      %add3A_730 = arith.addi %mul3A_118, %add3A_729 : i32
      %add3A_731 = arith.constant 1 : i32
      %add3A_732 = arith.addi %add3A_730, %add3A_731 : i32
      %mul3A_733 = arith.constant 16 : i32
      %mul3A_734 = arith.muli %add3A_732, %mul3A_733 : i32
      %get3A_735 = arith.index_cast %shift_right_arithmetic3A_115 : i32 to index
      %get3A_736 = arith.index_cast %mul3A_728 : i32 to index
      %get3A_737 = tpu.vector_load %arg6[%get3A_735, %get3A_736] {strides = array<i32>} : memref<16x512xf32, #tpu.memory_space<vmem>>, vector<16xf32>,
      %get3A_738 = arith.index_cast %shift_right_arithmetic3A_115 : i32 to index
      %get3A_739 = arith.index_cast %mul3A_728 : i32 to index
      %get3A_740 = tpu.vector_load %arg7[%get3A_738, %get3A_739] {strides = array<i32>} : memref<16x512xf32, #tpu.memory_space<vmem>>, vector<16xf32>,
      %get3A_741 = arith.index_cast %shift_right_arithmetic3A_115 : i32 to index
      %get3A_742 = arith.index_cast %mul3A_728 : i32 to index
      %get3A_743 = tpu.vector_load %arg8[%get3A_741, %get3A_742] {strides = array<i32>} : memref<16x512xf32, #tpu.memory_space<vmem>>, vector<16xf32>,
      %get3A_744 = arith.index_cast %shift_right_arithmetic3A_115 : i32 to index
      %get3A_745 = arith.index_cast %mul3A_728 : i32 to index
      %get3A_746 = tpu.vector_load %arg9[%get3A_744, %get3A_745] {strides = array<i32>} : memref<16x512xf32, #tpu.memory_space<vmem>>, vector<16xf32>,
      %get3A_747 = arith.index_cast %shift_right_arithmetic3A_115 : i32 to index
      %get3A_748 = arith.index_cast %mul3A_728 : i32 to index
      %get3A_749 = tpu.vector_load %arg10[%get3A_747, %get3A_748] {strides = array<i32>} : memref<16x512xf32, #tpu.memory_space<vmem>>, vector<16xf32>,
      %get3A_750 = arith.index_cast %shift_right_arithmetic3A_115 : i32 to index
      %get3A_751 = arith.index_cast %mul3A_728 : i32 to index
      %get3A_752 = tpu.vector_load %arg11[%get3A_750, %get3A_751] {strides = array<i32>} : memref<16x512xf32, #tpu.memory_space<vmem>>, vector<16xf32>,
      %get3A_753 = arith.index_cast %shift_right_arithmetic3A_115 : i32 to index
      %get3A_754 = arith.index_cast %mul3A_734 : i32 to index
      %get3A_755 = tpu.vector_load %arg6[%get3A_753, %get3A_754] {strides = array<i32>} : memref<16x512xf32, #tpu.memory_space<vmem>>, vector<16xf32>,
      %get3A_756 = arith.index_cast %shift_right_arithmetic3A_115 : i32 to index
      %get3A_757 = arith.index_cast %mul3A_734 : i32 to index
      %get3A_758 = tpu.vector_load %arg7[%get3A_756, %get3A_757] {strides = array<i32>} : memref<16x512xf32, #tpu.memory_space<vmem>>, vector<16xf32>,
      %get3A_759 = arith.index_cast %shift_right_arithmetic3A_115 : i32 to index
      %get3A_760 = arith.index_cast %mul3A_734 : i32 to index
      %get3A_761 = tpu.vector_load %arg8[%get3A_759, %get3A_760] {strides = array<i32>} : memref<16x512xf32, #tpu.memory_space<vmem>>, vector<16xf32>,
      %get3A_762 = arith.index_cast %shift_right_arithmetic3A_115 : i32 to index
      %get3A_763 = arith.index_cast %mul3A_734 : i32 to index
      %get3A_764 = tpu.vector_load %arg9[%get3A_762, %get3A_763] {strides = array<i32>} : memref<16x512xf32, #tpu.memory_space<vmem>>, vector<16xf32>,
      %get3A_765 = arith.index_cast %shift_right_arithmetic3A_115 : i32 to index
      %get3A_766 = arith.index_cast %mul3A_734 : i32 to index
      %get3A_767 = tpu.vector_load %arg10[%get3A_765, %get3A_766] {strides = array<i32>} : memref<16x512xf32, #tpu.memory_space<vmem>>, vector<16xf32>,
      %get3A_768 = arith.index_cast %shift_right_arithmetic3A_115 : i32 to index
      %get3A_769 = arith.index_cast %mul3A_734 : i32 to index
      %get3A_770 = tpu.vector_load %arg11[%get3A_768, %get3A_769] {strides = array<i32>} : memref<16x512xf32, #tpu.memory_space<vmem>>, vector<16xf32>,
      %mul3A_771 = arith.constant 2.560000e+02 : f32
      %mul3A_772 = vector.broadcast %mul3A_771 : f32 to vector<16xf32>
      %mul3A_773 = arith.mulf %get3A_737, %mul3A_772 : vector<16xf32>
      %mul3A_774 = arith.constant 1.600000e+01 : f32
      %mul3A_775 = vector.broadcast %mul3A_774 : f32 to vector<16xf32>
      %mul3A_776 = arith.mulf %get3A_740, %mul3A_775 : vector<16xf32>
      %add3A_777 = arith.addf %mul3A_773, %mul3A_776 : vector<16xf32>
      %add3A_778 = arith.addf %add3A_777, %get3A_743 : vector<16xf32>
      %convert_element_type3A_779 = arith.fptosi %add3A_778 : vector<16xf32> to vector<16xi32>
      %mul3A_780 = arith.constant 2.560000e+02 : f32
      %mul3A_781 = vector.broadcast %mul3A_780 : f32 to vector<16xf32>
      %mul3A_782 = arith.mulf %get3A_746, %mul3A_781 : vector<16xf32>
      %mul3A_783 = arith.constant 1.600000e+01 : f32
      %mul3A_784 = vector.broadcast %mul3A_783 : f32 to vector<16xf32>
      %mul3A_785 = arith.mulf %get3A_749, %mul3A_784 : vector<16xf32>
      %add3A_786 = arith.addf %mul3A_782, %mul3A_785 : vector<16xf32>
      %add3A_787 = arith.addf %add3A_786, %get3A_752 : vector<16xf32>
      %convert_element_type3A_788 = arith.fptosi %add3A_787 : vector<16xf32> to vector<16xi32>
      %mul3A_789 = arith.constant 2.560000e+02 : f32
      %mul3A_790 = vector.broadcast %mul3A_789 : f32 to vector<16xf32>
      %mul3A_791 = arith.mulf %get3A_755, %mul3A_790 : vector<16xf32>
      %mul3A_792 = arith.constant 1.600000e+01 : f32
      %mul3A_793 = vector.broadcast %mul3A_792 : f32 to vector<16xf32>
      %mul3A_794 = arith.mulf %get3A_758, %mul3A_793 : vector<16xf32>
      %add3A_795 = arith.addf %mul3A_791, %mul3A_794 : vector<16xf32>
      %add3A_796 = arith.addf %add3A_795, %get3A_761 : vector<16xf32>
      %convert_element_type3A_797 = arith.fptosi %add3A_796 : vector<16xf32> to vector<16xi32>
      %mul3A_798 = arith.constant 2.560000e+02 : f32
      %mul3A_799 = vector.broadcast %mul3A_798 : f32 to vector<16xf32>
      %mul3A_800 = arith.mulf %get3A_764, %mul3A_799 : vector<16xf32>
      %mul3A_801 = arith.constant 1.600000e+01 : f32
      %mul3A_802 = vector.broadcast %mul3A_801 : f32 to vector<16xf32>
      %mul3A_803 = arith.mulf %get3A_767, %mul3A_802 : vector<16xf32>
      %add3A_804 = arith.addf %mul3A_800, %mul3A_803 : vector<16xf32>
      %add3A_805 = arith.addf %add3A_804, %get3A_770 : vector<16xf32>
      %convert_element_type3A_806 = arith.fptosi %add3A_805 : vector<16xf32> to vector<16xi32>
      %and3A_807 = arith.constant 7 : i32
      %and3A_808 = vector.broadcast %and3A_807 : i32 to vector<16xi32>
      %and3A_809 = arith.andi %convert_element_type3A_779, %and3A_808 : vector<16xi32>
      %shift_left3A_810 = arith.constant 9 : i32
      %shift_left3A_811 = vector.broadcast %shift_left3A_810 : i32 to vector<16xi32>
      %shift_left3A_812 = arith.shli %and3A_809, %shift_left3A_811 : vector<16xi32>
      %shift_right_arithmetic3A_813 = arith.constant 3 : i32
      %shift_right_arithmetic3A_814 = vector.broadcast %shift_right_arithmetic3A_813 : i32 to vector<16xi32>
      %shift_right_arithmetic3A_815 = arith.shrsi %convert_element_type3A_779, %shift_right_arithmetic3A_814 : vector<16xi32>
      %or3A_816 = arith.ori %shift_left3A_812, %shift_right_arithmetic3A_815 : vector<16xi32>
      %and3A_817 = arith.constant 7 : i32
      %and3A_818 = vector.broadcast %and3A_817 : i32 to vector<16xi32>
      %and3A_819 = arith.andi %convert_element_type3A_788, %and3A_818 : vector<16xi32>
      %shift_left3A_820 = arith.constant 9 : i32
      %shift_left3A_821 = vector.broadcast %shift_left3A_820 : i32 to vector<16xi32>
      %shift_left3A_822 = arith.shli %and3A_819, %shift_left3A_821 : vector<16xi32>
      %shift_right_arithmetic3A_823 = arith.constant 3 : i32
      %shift_right_arithmetic3A_824 = vector.broadcast %shift_right_arithmetic3A_823 : i32 to vector<16xi32>
      %shift_right_arithmetic3A_825 = arith.shrsi %convert_element_type3A_788, %shift_right_arithmetic3A_824 : vector<16xi32>
      %or3A_826 = arith.ori %shift_left3A_822, %shift_right_arithmetic3A_825 : vector<16xi32>
      %and3A_827 = arith.constant 7 : i32
      %and3A_828 = vector.broadcast %and3A_827 : i32 to vector<16xi32>
      %and3A_829 = arith.andi %convert_element_type3A_797, %and3A_828 : vector<16xi32>
      %shift_left3A_830 = arith.constant 9 : i32
      %shift_left3A_831 = vector.broadcast %shift_left3A_830 : i32 to vector<16xi32>
      %shift_left3A_832 = arith.shli %and3A_829, %shift_left3A_831 : vector<16xi32>
      %shift_right_arithmetic3A_833 = arith.constant 3 : i32
      %shift_right_arithmetic3A_834 = vector.broadcast %shift_right_arithmetic3A_833 : i32 to vector<16xi32>
      %shift_right_arithmetic3A_835 = arith.shrsi %convert_element_type3A_797, %shift_right_arithmetic3A_834 : vector<16xi32>
      %or3A_836 = arith.ori %shift_left3A_832, %shift_right_arithmetic3A_835 : vector<16xi32>
      %and3A_837 = arith.constant 7 : i32
      %and3A_838 = vector.broadcast %and3A_837 : i32 to vector<16xi32>
      %and3A_839 = arith.andi %convert_element_type3A_806, %and3A_838 : vector<16xi32>
      %shift_left3A_840 = arith.constant 9 : i32
      %shift_left3A_841 = vector.broadcast %shift_left3A_840 : i32 to vector<16xi32>
      %shift_left3A_842 = arith.shli %and3A_839, %shift_left3A_841 : vector<16xi32>
      %shift_right_arithmetic3A_843 = arith.constant 3 : i32
      %shift_right_arithmetic3A_844 = vector.broadcast %shift_right_arithmetic3A_843 : i32 to vector<16xi32>
      %shift_right_arithmetic3A_845 = arith.shrsi %convert_element_type3A_806, %shift_right_arithmetic3A_844 : vector<16xi32>
      %or3A_846 = arith.ori %shift_left3A_842, %shift_right_arithmetic3A_845 : vector<16xi32>
      tpu.vector_store_idx %arg12[%or3A_816], %broadcast_in_dim3A_105 {add = true} : memref<4096xf32, #tpu.memory_space<vmem>>[vector<16xi32>], vector<16xf32>,
      tpu.vector_store_idx %arg13[%or3A_826], %broadcast_in_dim3A_105 {add = true} : memref<4096xf32, #tpu.memory_space<vmem>>[vector<16xi32>], vector<16xf32>,
      tpu.vector_store_idx %arg12[%or3A_836], %broadcast_in_dim3A_105 {add = true} : memref<4096xf32, #tpu.memory_space<vmem>>[vector<16xi32>], vector<16xf32>,
      tpu.vector_store_idx %arg13[%or3A_846], %broadcast_in_dim3A_105 {add = true} : memref<4096xf32, #tpu.memory_space<vmem>>[vector<16xi32>], vector<16xf32>,
      %add3A_847 = arith.constant 12 : i32
      %add3A_848 = arith.addi %mul3A_118, %add3A_847 : i32
      %mul3A_849 = arith.constant 16 : i32
      %mul3A_850 = arith.muli %add3A_848, %mul3A_849 : i32
      %add3A_851 = arith.constant 12 : i32
      %add3A_852 = arith.addi %mul3A_118, %add3A_851 : i32
      %add3A_853 = arith.constant 1 : i32
      %add3A_854 = arith.addi %add3A_852, %add3A_853 : i32
      %mul3A_855 = arith.constant 16 : i32
      %mul3A_856 = arith.muli %add3A_854, %mul3A_855 : i32
      %get3A_857 = arith.index_cast %shift_right_arithmetic3A_115 : i32 to index
      %get3A_858 = arith.index_cast %mul3A_850 : i32 to index
      %get3A_859 = tpu.vector_load %arg6[%get3A_857, %get3A_858] {strides = array<i32>} : memref<16x512xf32, #tpu.memory_space<vmem>>, vector<16xf32>,
      %get3A_860 = arith.index_cast %shift_right_arithmetic3A_115 : i32 to index
      %get3A_861 = arith.index_cast %mul3A_850 : i32 to index
      %get3A_862 = tpu.vector_load %arg7[%get3A_860, %get3A_861] {strides = array<i32>} : memref<16x512xf32, #tpu.memory_space<vmem>>, vector<16xf32>,
      %get3A_863 = arith.index_cast %shift_right_arithmetic3A_115 : i32 to index
      %get3A_864 = arith.index_cast %mul3A_850 : i32 to index
      %get3A_865 = tpu.vector_load %arg8[%get3A_863, %get3A_864] {strides = array<i32>} : memref<16x512xf32, #tpu.memory_space<vmem>>, vector<16xf32>,
      %get3A_866 = arith.index_cast %shift_right_arithmetic3A_115 : i32 to index
      %get3A_867 = arith.index_cast %mul3A_850 : i32 to index
      %get3A_868 = tpu.vector_load %arg9[%get3A_866, %get3A_867] {strides = array<i32>} : memref<16x512xf32, #tpu.memory_space<vmem>>, vector<16xf32>,
      %get3A_869 = arith.index_cast %shift_right_arithmetic3A_115 : i32 to index
      %get3A_870 = arith.index_cast %mul3A_850 : i32 to index
      %get3A_871 = tpu.vector_load %arg10[%get3A_869, %get3A_870] {strides = array<i32>} : memref<16x512xf32, #tpu.memory_space<vmem>>, vector<16xf32>,
      %get3A_872 = arith.index_cast %shift_right_arithmetic3A_115 : i32 to index
      %get3A_873 = arith.index_cast %mul3A_850 : i32 to index
      %get3A_874 = tpu.vector_load %arg11[%get3A_872, %get3A_873] {strides = array<i32>} : memref<16x512xf32, #tpu.memory_space<vmem>>, vector<16xf32>,
      %get3A_875 = arith.index_cast %shift_right_arithmetic3A_115 : i32 to index
      %get3A_876 = arith.index_cast %mul3A_856 : i32 to index
      %get3A_877 = tpu.vector_load %arg6[%get3A_875, %get3A_876] {strides = array<i32>} : memref<16x512xf32, #tpu.memory_space<vmem>>, vector<16xf32>,
      %get3A_878 = arith.index_cast %shift_right_arithmetic3A_115 : i32 to index
      %get3A_879 = arith.index_cast %mul3A_856 : i32 to index
      %get3A_880 = tpu.vector_load %arg7[%get3A_878, %get3A_879] {strides = array<i32>} : memref<16x512xf32, #tpu.memory_space<vmem>>, vector<16xf32>,
      %get3A_881 = arith.index_cast %shift_right_arithmetic3A_115 : i32 to index
      %get3A_882 = arith.index_cast %mul3A_856 : i32 to index
      %get3A_883 = tpu.vector_load %arg8[%get3A_881, %get3A_882] {strides = array<i32>} : memref<16x512xf32, #tpu.memory_space<vmem>>, vector<16xf32>,
      %get3A_884 = arith.index_cast %shift_right_arithmetic3A_115 : i32 to index
      %get3A_885 = arith.index_cast %mul3A_856 : i32 to index
      %get3A_886 = tpu.vector_load %arg9[%get3A_884, %get3A_885] {strides = array<i32>} : memref<16x512xf32, #tpu.memory_space<vmem>>, vector<16xf32>,
      %get3A_887 = arith.index_cast %shift_right_arithmetic3A_115 : i32 to index
      %get3A_888 = arith.index_cast %mul3A_856 : i32 to index
      %get3A_889 = tpu.vector_load %arg10[%get3A_887, %get3A_888] {strides = array<i32>} : memref<16x512xf32, #tpu.memory_space<vmem>>, vector<16xf32>,
      %get3A_890 = arith.index_cast %shift_right_arithmetic3A_115 : i32 to index
      %get3A_891 = arith.index_cast %mul3A_856 : i32 to index
      %get3A_892 = tpu.vector_load %arg11[%get3A_890, %get3A_891] {strides = array<i32>} : memref<16x512xf32, #tpu.memory_space<vmem>>, vector<16xf32>,
      %mul3A_893 = arith.constant 2.560000e+02 : f32
      %mul3A_894 = vector.broadcast %mul3A_893 : f32 to vector<16xf32>
      %mul3A_895 = arith.mulf %get3A_859, %mul3A_894 : vector<16xf32>
      %mul3A_896 = arith.constant 1.600000e+01 : f32
      %mul3A_897 = vector.broadcast %mul3A_896 : f32 to vector<16xf32>
      %mul3A_898 = arith.mulf %get3A_862, %mul3A_897 : vector<16xf32>
      %add3A_899 = arith.addf %mul3A_895, %mul3A_898 : vector<16xf32>
      %add3A_900 = arith.addf %add3A_899, %get3A_865 : vector<16xf32>
      %convert_element_type3A_901 = arith.fptosi %add3A_900 : vector<16xf32> to vector<16xi32>
      %mul3A_902 = arith.constant 2.560000e+02 : f32
      %mul3A_903 = vector.broadcast %mul3A_902 : f32 to vector<16xf32>
      %mul3A_904 = arith.mulf %get3A_868, %mul3A_903 : vector<16xf32>
      %mul3A_905 = arith.constant 1.600000e+01 : f32
      %mul3A_906 = vector.broadcast %mul3A_905 : f32 to vector<16xf32>
      %mul3A_907 = arith.mulf %get3A_871, %mul3A_906 : vector<16xf32>
      %add3A_908 = arith.addf %mul3A_904, %mul3A_907 : vector<16xf32>
      %add3A_909 = arith.addf %add3A_908, %get3A_874 : vector<16xf32>
      %convert_element_type3A_910 = arith.fptosi %add3A_909 : vector<16xf32> to vector<16xi32>
      %mul3A_911 = arith.constant 2.560000e+02 : f32
      %mul3A_912 = vector.broadcast %mul3A_911 : f32 to vector<16xf32>
      %mul3A_913 = arith.mulf %get3A_877, %mul3A_912 : vector<16xf32>
      %mul3A_914 = arith.constant 1.600000e+01 : f32
      %mul3A_915 = vector.broadcast %mul3A_914 : f32 to vector<16xf32>
      %mul3A_916 = arith.mulf %get3A_880, %mul3A_915 : vector<16xf32>
      %add3A_917 = arith.addf %mul3A_913, %mul3A_916 : vector<16xf32>
      %add3A_918 = arith.addf %add3A_917, %get3A_883 : vector<16xf32>
      %convert_element_type3A_919 = arith.fptosi %add3A_918 : vector<16xf32> to vector<16xi32>
      %mul3A_920 = arith.constant 2.560000e+02 : f32
      %mul3A_921 = vector.broadcast %mul3A_920 : f32 to vector<16xf32>
      %mul3A_922 = arith.mulf %get3A_886, %mul3A_921 : vector<16xf32>
      %mul3A_923 = arith.constant 1.600000e+01 : f32
      %mul3A_924 = vector.broadcast %mul3A_923 : f32 to vector<16xf32>
      %mul3A_925 = arith.mulf %get3A_889, %mul3A_924 : vector<16xf32>
      %add3A_926 = arith.addf %mul3A_922, %mul3A_925 : vector<16xf32>
      %add3A_927 = arith.addf %add3A_926, %get3A_892 : vector<16xf32>
      %convert_element_type3A_928 = arith.fptosi %add3A_927 : vector<16xf32> to vector<16xi32>
      %and3A_929 = arith.constant 7 : i32
      %and3A_930 = vector.broadcast %and3A_929 : i32 to vector<16xi32>
      %and3A_931 = arith.andi %convert_element_type3A_901, %and3A_930 : vector<16xi32>
      %shift_left3A_932 = arith.constant 9 : i32
      %shift_left3A_933 = vector.broadcast %shift_left3A_932 : i32 to vector<16xi32>
      %shift_left3A_934 = arith.shli %and3A_931, %shift_left3A_933 : vector<16xi32>
      %shift_right_arithmetic3A_935 = arith.constant 3 : i32
      %shift_right_arithmetic3A_936 = vector.broadcast %shift_right_arithmetic3A_935 : i32 to vector<16xi32>
      %shift_right_arithmetic3A_937 = arith.shrsi %convert_element_type3A_901, %shift_right_arithmetic3A_936 : vector<16xi32>
      %or3A_938 = arith.ori %shift_left3A_934, %shift_right_arithmetic3A_937 : vector<16xi32>
      %and3A_939 = arith.constant 7 : i32
      %and3A_940 = vector.broadcast %and3A_939 : i32 to vector<16xi32>
      %and3A_941 = arith.andi %convert_element_type3A_910, %and3A_940 : vector<16xi32>
      %shift_left3A_942 = arith.constant 9 : i32
      %shift_left3A_943 = vector.broadcast %shift_left3A_942 : i32 to vector<16xi32>
      %shift_left3A_944 = arith.shli %and3A_941, %shift_left3A_943 : vector<16xi32>
      %shift_right_arithmetic3A_945 = arith.constant 3 : i32
      %shift_right_arithmetic3A_946 = vector.broadcast %shift_right_arithmetic3A_945 : i32 to vector<16xi32>
      %shift_right_arithmetic3A_947 = arith.shrsi %convert_element_type3A_910, %shift_right_arithmetic3A_946 : vector<16xi32>
      %or3A_948 = arith.ori %shift_left3A_944, %shift_right_arithmetic3A_947 : vector<16xi32>
      %and3A_949 = arith.constant 7 : i32
      %and3A_950 = vector.broadcast %and3A_949 : i32 to vector<16xi32>
      %and3A_951 = arith.andi %convert_element_type3A_919, %and3A_950 : vector<16xi32>
      %shift_left3A_952 = arith.constant 9 : i32
      %shift_left3A_953 = vector.broadcast %shift_left3A_952 : i32 to vector<16xi32>
      %shift_left3A_954 = arith.shli %and3A_951, %shift_left3A_953 : vector<16xi32>
      %shift_right_arithmetic3A_955 = arith.constant 3 : i32
      %shift_right_arithmetic3A_956 = vector.broadcast %shift_right_arithmetic3A_955 : i32 to vector<16xi32>
      %shift_right_arithmetic3A_957 = arith.shrsi %convert_element_type3A_919, %shift_right_arithmetic3A_956 : vector<16xi32>
      %or3A_958 = arith.ori %shift_left3A_954, %shift_right_arithmetic3A_957 : vector<16xi32>
      %and3A_959 = arith.constant 7 : i32
      %and3A_960 = vector.broadcast %and3A_959 : i32 to vector<16xi32>
      %and3A_961 = arith.andi %convert_element_type3A_928, %and3A_960 : vector<16xi32>
      %shift_left3A_962 = arith.constant 9 : i32
      %shift_left3A_963 = vector.broadcast %shift_left3A_962 : i32 to vector<16xi32>
      %shift_left3A_964 = arith.shli %and3A_961, %shift_left3A_963 : vector<16xi32>
      %shift_right_arithmetic3A_965 = arith.constant 3 : i32
      %shift_right_arithmetic3A_966 = vector.broadcast %shift_right_arithmetic3A_965 : i32 to vector<16xi32>
      %shift_right_arithmetic3A_967 = arith.shrsi %convert_element_type3A_928, %shift_right_arithmetic3A_966 : vector<16xi32>
      %or3A_968 = arith.ori %shift_left3A_964, %shift_right_arithmetic3A_967 : vector<16xi32>
      tpu.vector_store_idx %arg12[%or3A_938], %broadcast_in_dim3A_105 {add = true} : memref<4096xf32, #tpu.memory_space<vmem>>[vector<16xi32>], vector<16xf32>,
      tpu.vector_store_idx %arg13[%or3A_948], %broadcast_in_dim3A_105 {add = true} : memref<4096xf32, #tpu.memory_space<vmem>>[vector<16xi32>], vector<16xf32>,
      tpu.vector_store_idx %arg12[%or3A_958], %broadcast_in_dim3A_105 {add = true} : memref<4096xf32, #tpu.memory_space<vmem>>[vector<16xi32>], vector<16xf32>,
      tpu.vector_store_idx %arg13[%or3A_968], %broadcast_in_dim3A_105 {add = true} : memref<4096xf32, #tpu.memory_space<vmem>>[vector<16xi32>], vector<16xf32>,
      %add3A_969 = arith.constant 14 : i32
      %add3A_970 = arith.addi %mul3A_118, %add3A_969 : i32
      %mul3A_971 = arith.constant 16 : i32
      %mul3A_972 = arith.muli %add3A_970, %mul3A_971 : i32
      %add3A_973 = arith.constant 14 : i32
      %add3A_974 = arith.addi %mul3A_118, %add3A_973 : i32
      %add3A_975 = arith.constant 1 : i32
      %add3A_976 = arith.addi %add3A_974, %add3A_975 : i32
      %mul3A_977 = arith.constant 16 : i32
      %mul3A_978 = arith.muli %add3A_976, %mul3A_977 : i32
      %get3A_979 = arith.index_cast %shift_right_arithmetic3A_115 : i32 to index
      %get3A_980 = arith.index_cast %mul3A_972 : i32 to index
      %get3A_981 = tpu.vector_load %arg6[%get3A_979, %get3A_980] {strides = array<i32>} : memref<16x512xf32, #tpu.memory_space<vmem>>, vector<16xf32>,
      %get3A_982 = arith.index_cast %shift_right_arithmetic3A_115 : i32 to index
      %get3A_983 = arith.index_cast %mul3A_972 : i32 to index
      %get3A_984 = tpu.vector_load %arg7[%get3A_982, %get3A_983] {strides = array<i32>} : memref<16x512xf32, #tpu.memory_space<vmem>>, vector<16xf32>,
      %get3A_985 = arith.index_cast %shift_right_arithmetic3A_115 : i32 to index
      %get3A_986 = arith.index_cast %mul3A_972 : i32 to index
      %get3A_987 = tpu.vector_load %arg8[%get3A_985, %get3A_986] {strides = array<i32>} : memref<16x512xf32, #tpu.memory_space<vmem>>, vector<16xf32>,
      %get3A_988 = arith.index_cast %shift_right_arithmetic3A_115 : i32 to index
      %get3A_989 = arith.index_cast %mul3A_972 : i32 to index
      %get3A_990 = tpu.vector_load %arg9[%get3A_988, %get3A_989] {strides = array<i32>} : memref<16x512xf32, #tpu.memory_space<vmem>>, vector<16xf32>,
      %get3A_991 = arith.index_cast %shift_right_arithmetic3A_115 : i32 to index
      %get3A_992 = arith.index_cast %mul3A_972 : i32 to index
      %get3A_993 = tpu.vector_load %arg10[%get3A_991, %get3A_992] {strides = array<i32>} : memref<16x512xf32, #tpu.memory_space<vmem>>, vector<16xf32>,
      %get3A_994 = arith.index_cast %shift_right_arithmetic3A_115 : i32 to index
      %get3A_995 = arith.index_cast %mul3A_972 : i32 to index
      %get3A_996 = tpu.vector_load %arg11[%get3A_994, %get3A_995] {strides = array<i32>} : memref<16x512xf32, #tpu.memory_space<vmem>>, vector<16xf32>,
      %get3A_997 = arith.index_cast %shift_right_arithmetic3A_115 : i32 to index
      %get3A_998 = arith.index_cast %mul3A_978 : i32 to index
      %get3A_999 = tpu.vector_load %arg6[%get3A_997, %get3A_998] {strides = array<i32>} : memref<16x512xf32, #tpu.memory_space<vmem>>, vector<16xf32>,
      %get3A_1000 = arith.index_cast %shift_right_arithmetic3A_115 : i32 to index
      %get3A_1001 = arith.index_cast %mul3A_978 : i32 to index
      %get3A_1002 = tpu.vector_load %arg7[%get3A_1000, %get3A_1001] {strides = array<i32>} : memref<16x512xf32, #tpu.memory_space<vmem>>, vector<16xf32>,
      %get3A_1003 = arith.index_cast %shift_right_arithmetic3A_115 : i32 to index
      %get3A_1004 = arith.index_cast %mul3A_978 : i32 to index
      %get3A_1005 = tpu.vector_load %arg8[%get3A_1003, %get3A_1004] {strides = array<i32>} : memref<16x512xf32, #tpu.memory_space<vmem>>, vector<16xf32>,
      %get3A_1006 = arith.index_cast %shift_right_arithmetic3A_115 : i32 to index
      %get3A_1007 = arith.index_cast %mul3A_978 : i32 to index
      %get3A_1008 = tpu.vector_load %arg9[%get3A_1006, %get3A_1007] {strides = array<i32>} : memref<16x512xf32, #tpu.memory_space<vmem>>, vector<16xf32>,
      %get3A_1009 = arith.index_cast %shift_right_arithmetic3A_115 : i32 to index
      %get3A_1010 = arith.index_cast %mul3A_978 : i32 to index
      %get3A_1011 = tpu.vector_load %arg10[%get3A_1009, %get3A_1010] {strides = array<i32>} : memref<16x512xf32, #tpu.memory_space<vmem>>, vector<16xf32>,
      %get3A_1012 = arith.index_cast %shift_right_arithmetic3A_115 : i32 to index
      %get3A_1013 = arith.index_cast %mul3A_978 : i32 to index
      %get3A_1014 = tpu.vector_load %arg11[%get3A_1012, %get3A_1013] {strides = array<i32>} : memref<16x512xf32, #tpu.memory_space<vmem>>, vector<16xf32>,
      %mul3A_1015 = arith.constant 2.560000e+02 : f32
      %mul3A_1016 = vector.broadcast %mul3A_1015 : f32 to vector<16xf32>
      %mul3A_1017 = arith.mulf %get3A_981, %mul3A_1016 : vector<16xf32>
      %mul3A_1018 = arith.constant 1.600000e+01 : f32
      %mul3A_1019 = vector.broadcast %mul3A_1018 : f32 to vector<16xf32>
      %mul3A_1020 = arith.mulf %get3A_984, %mul3A_1019 : vector<16xf32>
      %add3A_1021 = arith.addf %mul3A_1017, %mul3A_1020 : vector<16xf32>
      %add3A_1022 = arith.addf %add3A_1021, %get3A_987 : vector<16xf32>
      %convert_element_type3A_1023 = arith.fptosi %add3A_1022 : vector<16xf32> to vector<16xi32>
      %mul3A_1024 = arith.constant 2.560000e+02 : f32
      %mul3A_1025 = vector.broadcast %mul3A_1024 : f32 to vector<16xf32>
      %mul3A_1026 = arith.mulf %get3A_990, %mul3A_1025 : vector<16xf32>
      %mul3A_1027 = arith.constant 1.600000e+01 : f32
      %mul3A_1028 = vector.broadcast %mul3A_1027 : f32 to vector<16xf32>
      %mul3A_1029 = arith.mulf %get3A_993, %mul3A_1028 : vector<16xf32>
      %add3A_1030 = arith.addf %mul3A_1026, %mul3A_1029 : vector<16xf32>
      %add3A_1031 = arith.addf %add3A_1030, %get3A_996 : vector<16xf32>
      %convert_element_type3A_1032 = arith.fptosi %add3A_1031 : vector<16xf32> to vector<16xi32>
      %mul3A_1033 = arith.constant 2.560000e+02 : f32
      %mul3A_1034 = vector.broadcast %mul3A_1033 : f32 to vector<16xf32>
      %mul3A_1035 = arith.mulf %get3A_999, %mul3A_1034 : vector<16xf32>
      %mul3A_1036 = arith.constant 1.600000e+01 : f32
      %mul3A_1037 = vector.broadcast %mul3A_1036 : f32 to vector<16xf32>
      %mul3A_1038 = arith.mulf %get3A_1002, %mul3A_1037 : vector<16xf32>
      %add3A_1039 = arith.addf %mul3A_1035, %mul3A_1038 : vector<16xf32>
      %add3A_1040 = arith.addf %add3A_1039, %get3A_1005 : vector<16xf32>
      %convert_element_type3A_1041 = arith.fptosi %add3A_1040 : vector<16xf32> to vector<16xi32>
      %mul3A_1042 = arith.constant 2.560000e+02 : f32
      %mul3A_1043 = vector.broadcast %mul3A_1042 : f32 to vector<16xf32>
      %mul3A_1044 = arith.mulf %get3A_1008, %mul3A_1043 : vector<16xf32>
      %mul3A_1045 = arith.constant 1.600000e+01 : f32
      %mul3A_1046 = vector.broadcast %mul3A_1045 : f32 to vector<16xf32>
      %mul3A_1047 = arith.mulf %get3A_1011, %mul3A_1046 : vector<16xf32>
      %add3A_1048 = arith.addf %mul3A_1044, %mul3A_1047 : vector<16xf32>
      %add3A_1049 = arith.addf %add3A_1048, %get3A_1014 : vector<16xf32>
      %convert_element_type3A_1050 = arith.fptosi %add3A_1049 : vector<16xf32> to vector<16xi32>
      %and3A_1051 = arith.constant 7 : i32
      %and3A_1052 = vector.broadcast %and3A_1051 : i32 to vector<16xi32>
      %and3A_1053 = arith.andi %convert_element_type3A_1023, %and3A_1052 : vector<16xi32>
      %shift_left3A_1054 = arith.constant 9 : i32
      %shift_left3A_1055 = vector.broadcast %shift_left3A_1054 : i32 to vector<16xi32>
      %shift_left3A_1056 = arith.shli %and3A_1053, %shift_left3A_1055 : vector<16xi32>
      %shift_right_arithmetic3A_1057 = arith.constant 3 : i32
      %shift_right_arithmetic3A_1058 = vector.broadcast %shift_right_arithmetic3A_1057 : i32 to vector<16xi32>
      %shift_right_arithmetic3A_1059 = arith.shrsi %convert_element_type3A_1023, %shift_right_arithmetic3A_1058 : vector<16xi32>
      %or3A_1060 = arith.ori %shift_left3A_1056, %shift_right_arithmetic3A_1059 : vector<16xi32>
      %and3A_1061 = arith.constant 7 : i32
      %and3A_1062 = vector.broadcast %and3A_1061 : i32 to vector<16xi32>
      %and3A_1063 = arith.andi %convert_element_type3A_1032, %and3A_1062 : vector<16xi32>
      %shift_left3A_1064 = arith.constant 9 : i32
      %shift_left3A_1065 = vector.broadcast %shift_left3A_1064 : i32 to vector<16xi32>
      %shift_left3A_1066 = arith.shli %and3A_1063, %shift_left3A_1065 : vector<16xi32>
      %shift_right_arithmetic3A_1067 = arith.constant 3 : i32
      %shift_right_arithmetic3A_1068 = vector.broadcast %shift_right_arithmetic3A_1067 : i32 to vector<16xi32>
      %shift_right_arithmetic3A_1069 = arith.shrsi %convert_element_type3A_1032, %shift_right_arithmetic3A_1068 : vector<16xi32>
      %or3A_1070 = arith.ori %shift_left3A_1066, %shift_right_arithmetic3A_1069 : vector<16xi32>
      %and3A_1071 = arith.constant 7 : i32
      %and3A_1072 = vector.broadcast %and3A_1071 : i32 to vector<16xi32>
      %and3A_1073 = arith.andi %convert_element_type3A_1041, %and3A_1072 : vector<16xi32>
      %shift_left3A_1074 = arith.constant 9 : i32
      %shift_left3A_1075 = vector.broadcast %shift_left3A_1074 : i32 to vector<16xi32>
      %shift_left3A_1076 = arith.shli %and3A_1073, %shift_left3A_1075 : vector<16xi32>
      %shift_right_arithmetic3A_1077 = arith.constant 3 : i32
      %shift_right_arithmetic3A_1078 = vector.broadcast %shift_right_arithmetic3A_1077 : i32 to vector<16xi32>
      %shift_right_arithmetic3A_1079 = arith.shrsi %convert_element_type3A_1041, %shift_right_arithmetic3A_1078 : vector<16xi32>
      %or3A_1080 = arith.ori %shift_left3A_1076, %shift_right_arithmetic3A_1079 : vector<16xi32>
      %and3A_1081 = arith.constant 7 : i32
      %and3A_1082 = vector.broadcast %and3A_1081 : i32 to vector<16xi32>
      %and3A_1083 = arith.andi %convert_element_type3A_1050, %and3A_1082 : vector<16xi32>
      %shift_left3A_1084 = arith.constant 9 : i32
      %shift_left3A_1085 = vector.broadcast %shift_left3A_1084 : i32 to vector<16xi32>
      %shift_left3A_1086 = arith.shli %and3A_1083, %shift_left3A_1085 : vector<16xi32>
      %shift_right_arithmetic3A_1087 = arith.constant 3 : i32
      %shift_right_arithmetic3A_1088 = vector.broadcast %shift_right_arithmetic3A_1087 : i32 to vector<16xi32>
      %shift_right_arithmetic3A_1089 = arith.shrsi %convert_element_type3A_1050, %shift_right_arithmetic3A_1088 : vector<16xi32>
      %or3A_1090 = arith.ori %shift_left3A_1086, %shift_right_arithmetic3A_1089 : vector<16xi32>
      tpu.vector_store_idx %arg12[%or3A_1060], %broadcast_in_dim3A_105 {add = true} : memref<4096xf32, #tpu.memory_space<vmem>>[vector<16xi32>], vector<16xf32>,
      tpu.vector_store_idx %arg13[%or3A_1070], %broadcast_in_dim3A_105 {add = true} : memref<4096xf32, #tpu.memory_space<vmem>>[vector<16xi32>], vector<16xf32>,
      tpu.vector_store_idx %arg12[%or3A_1080], %broadcast_in_dim3A_105 {add = true} : memref<4096xf32, #tpu.memory_space<vmem>>[vector<16xi32>], vector<16xf32>,
      tpu.vector_store_idx %arg13[%or3A_1090], %broadcast_in_dim3A_105 {add = true} : memref<4096xf32, #tpu.memory_space<vmem>>[vector<16xi32>], vector<16xf32>,
      %scan3A_1091 = arith.constant 0 : i32
      scf.yield %scan3A_1091 : i32
    }
    %scan3A_112 = arith.constant 32 : i32
    "tpu.region"() ({
      %run_scoped3A = tpu.sem_alloc : memref<!tpu.dma_semaphore, #tpu.memory_space<semaphore_mem>>
      %dma_start3A_113 = arith.constant 0 : i32
      %dma_start3A_114 = tpu.memref_slice %arg4[%add3A, %dma_start3A_113] : memref<32x4096xf32, #tpu.memory_space<hbm>> -> memref<1x4096xf32, #tpu.memory_space<hbm>>
      %dma_start3A_115 = tpu.memref_squeeze %dma_start3A_114 : memref<1x4096xf32, #tpu.memory_space<hbm>> -> memref<4096xf32, #tpu.memory_space<hbm>>
      %dma_start3A_116 = arith.constant 0 : i32
      %dma_start3A_117 = tpu.memref_slice %arg4[%add3A, %dma_start3A_116] : memref<32x4096xf32, #tpu.memory_space<hbm>> -> memref<1x4096xf32, #tpu.memory_space<hbm>>
      %dma_start3A_118 = tpu.memref_squeeze %dma_start3A_117 : memref<1x4096xf32, #tpu.memory_space<hbm>> -> memref<4096xf32, #tpu.memory_space<hbm>>
      tpu.enqueue_dma source(%arg12 : memref<4096xf32, #tpu.memory_space<vmem>>) target(%dma_start3A_118 : memref<4096xf32, #tpu.memory_space<hbm>>) target_semaphore(%run_scoped3A : memref<!tpu.dma_semaphore, #tpu.memory_space<semaphore_mem>>)
      %dma_wait3A_119 = arith.constant 0 : i32
      %dma_wait3A_120 = tpu.memref_slice %arg4[%add3A, %dma_wait3A_119] : memref<32x4096xf32, #tpu.memory_space<hbm>> -> memref<1x4096xf32, #tpu.memory_space<hbm>>
      %dma_wait3A_121 = tpu.memref_squeeze %dma_wait3A_120 : memref<1x4096xf32, #tpu.memory_space<hbm>> -> memref<4096xf32, #tpu.memory_space<hbm>>
      %dma_wait3A_122 = arith.constant 0 : i32
      %dma_wait3A_123 = tpu.memref_slice %arg4[%add3A, %dma_wait3A_122] : memref<32x4096xf32, #tpu.memory_space<hbm>> -> memref<1x4096xf32, #tpu.memory_space<hbm>>
      %dma_wait3A_124 = tpu.memref_squeeze %dma_wait3A_123 : memref<1x4096xf32, #tpu.memory_space<hbm>> -> memref<4096xf32, #tpu.memory_space<hbm>>
      tpu.wait_dma2 semaphore(%run_scoped3A : memref<!tpu.dma_semaphore, #tpu.memory_space<semaphore_mem>>) src(%arg12 : memref<4096xf32, #tpu.memory_space<vmem>>) dst(%dma_wait3A_124 : memref<4096xf32, #tpu.memory_space<hbm>>)
      tpu.yield
    }) : () -> ()
    "tpu.region"() ({
      %run_scoped3A = tpu.sem_alloc : memref<!tpu.dma_semaphore, #tpu.memory_space<semaphore_mem>>
      %dma_start3A_113 = arith.constant 0 : i32
      %dma_start3A_114 = tpu.memref_slice %arg5[%add3A, %dma_start3A_113] : memref<32x4096xf32, #tpu.memory_space<hbm>> -> memref<1x4096xf32, #tpu.memory_space<hbm>>
      %dma_start3A_115 = tpu.memref_squeeze %dma_start3A_114 : memref<1x4096xf32, #tpu.memory_space<hbm>> -> memref<4096xf32, #tpu.memory_space<hbm>>
      %dma_start3A_116 = arith.constant 0 : i32
      %dma_start3A_117 = tpu.memref_slice %arg5[%add3A, %dma_start3A_116] : memref<32x4096xf32, #tpu.memory_space<hbm>> -> memref<1x4096xf32, #tpu.memory_space<hbm>>
      %dma_start3A_118 = tpu.memref_squeeze %dma_start3A_117 : memref<1x4096xf32, #tpu.memory_space<hbm>> -> memref<4096xf32, #tpu.memory_space<hbm>>
      tpu.enqueue_dma source(%arg13 : memref<4096xf32, #tpu.memory_space<vmem>>) target(%dma_start3A_118 : memref<4096xf32, #tpu.memory_space<hbm>>) target_semaphore(%run_scoped3A : memref<!tpu.dma_semaphore, #tpu.memory_space<semaphore_mem>>)
      %dma_wait3A_119 = arith.constant 0 : i32
      %dma_wait3A_120 = tpu.memref_slice %arg5[%add3A, %dma_wait3A_119] : memref<32x4096xf32, #tpu.memory_space<hbm>> -> memref<1x4096xf32, #tpu.memory_space<hbm>>
      %dma_wait3A_121 = tpu.memref_squeeze %dma_wait3A_120 : memref<1x4096xf32, #tpu.memory_space<hbm>> -> memref<4096xf32, #tpu.memory_space<hbm>>
      %dma_wait3A_122 = arith.constant 0 : i32
      %dma_wait3A_123 = tpu.memref_slice %arg5[%add3A, %dma_wait3A_122] : memref<32x4096xf32, #tpu.memory_space<hbm>> -> memref<1x4096xf32, #tpu.memory_space<hbm>>
      %dma_wait3A_124 = tpu.memref_squeeze %dma_wait3A_123 : memref<1x4096xf32, #tpu.memory_space<hbm>> -> memref<4096xf32, #tpu.memory_space<hbm>>
      tpu.wait_dma2 semaphore(%run_scoped3A : memref<!tpu.dma_semaphore, #tpu.memory_space<semaphore_mem>>) src(%arg13 : memref<4096xf32, #tpu.memory_space<vmem>>) dst(%dma_wait3A_124 : memref<4096xf32, #tpu.memory_space<hbm>>)
      tpu.yield
    }) : () -> ()
    return
  }
}

module attributes {stable_mosaic.version = 14 : i64} {
  func.func @_compact_body(%arg0: i32, %arg1: memref<1024x128xf32, #tpu.memory_space<vmem>>, %arg2: memref<1024x128xf32, #tpu.memory_space<vmem>>, %arg3: memref<8x1024xf32, #tpu.memory_space<vmem>>, %arg4: memref<8x1024xf32, #tpu.memory_space<vmem>>) attributes {dimension_semantics = [#tpu.dimension_semantics<arbitrary>], iteration_bounds = array<i64: 16>, scalar_prefetch = 0 : i64, scratch_operands = 0 : i64, tpu.core_type = #tpu.core_type<tc>, window_params = [{transform_indices = @transform_0, window_bounds = array<i64: 1024, 128>}, {transform_indices = @transform_1, window_bounds = array<i64: 1024, 128>}, {transform_indices = @transform_2, window_bounds = array<i64: 8, 1024>}, {transform_indices = @transform_3, window_bounds = array<i64: 8, 1024>}]} {
    %iota3A = tpu.iota {dimensions = array<i32: 0>} : vector<128x8xi32>
    %iota3A_0 = tpu.iota {dimensions = array<i32: 1>} : vector<128x8xi32>
    %mul3A = arith.constant 16 : i32
    %mul3A_1 = vector.broadcast %mul3A : i32 to vector<128x8xi32>
    %mul3A_2 = arith.muli %mul3A_1, %iota3A_0 : vector<128x8xi32>
    %eq3A = arith.cmpi eq, %iota3A, %mul3A_2 : vector<128x8xi32>
    %convert_element_type3A = arith.extui %eq3A : vector<128x8xi1> to vector<128x8xi32>
    %convert_element_type3A_3 = arith.sitofp %convert_element_type3A : vector<128x8xi32> to vector<128x8xf32>
    %get3A = arith.constant 0 : index
    %get3A_4 = arith.constant 0 : index
    %get3A_5 = vector.load %arg1[%get3A, %get3A_4] : memref<1024x128xf32, #tpu.memory_space<vmem>>, vector<1024x128xf32>
    %dot_general3A = arith.constant dense<0.000000e+00> : vector<8x1024xf32>
    %dot_general3A_6 = tpu.matmul %convert_element_type3A_3, %get3A_5, %dot_general3A {dimension_numbers = #tpu.dot_dimension_numbers<[0], [1], [1], [0], [0, 1, 1, 0], [], []>, transpose_lhs_hint = false} : vector<128x8xf32>, vector<1024x128xf32>, vector<8x1024xf32> -> vector<8x1024xf32>
    %swap3A = arith.constant 0 : index
    %swap3A_7 = arith.constant 0 : index
    %swap3A_8 = vector.load %arg3[%swap3A, %swap3A_7] : memref<8x1024xf32, #tpu.memory_space<vmem>>, vector<8x1024xf32>
    tpu.vector_store %arg3[%swap3A, %swap3A_7], %dot_general3A_6 {strides = array<i32>} : memref<8x1024xf32, #tpu.memory_space<vmem>>, vector<8x1024xf32>,
    %get3A_9 = arith.constant 0 : index
    %get3A_10 = arith.constant 0 : index
    %get3A_11 = vector.load %arg2[%get3A_9, %get3A_10] : memref<1024x128xf32, #tpu.memory_space<vmem>>, vector<1024x128xf32>
    %dot_general3A_12 = arith.constant dense<0.000000e+00> : vector<8x1024xf32>
    %dot_general3A_13 = tpu.matmul %convert_element_type3A_3, %get3A_11, %dot_general3A_12 {dimension_numbers = #tpu.dot_dimension_numbers<[0], [1], [1], [0], [0, 1, 1, 0], [], []>, transpose_lhs_hint = false} : vector<128x8xf32>, vector<1024x128xf32>, vector<8x1024xf32> -> vector<8x1024xf32>
    %swap3A_14 = arith.constant 0 : index
    %swap3A_15 = arith.constant 0 : index
    %swap3A_16 = vector.load %arg4[%swap3A_14, %swap3A_15] : memref<8x1024xf32, #tpu.memory_space<vmem>>, vector<8x1024xf32>
    tpu.vector_store %arg4[%swap3A_14, %swap3A_15], %dot_general3A_13 {strides = array<i32>} : memref<8x1024xf32, #tpu.memory_space<vmem>>, vector<8x1024xf32>,
    return
  }
  func.func @transform_0(%arg0: i32) -> (i32, i32) {
    %c0_i32 = arith.constant 0 : i32
    %c0_i32_0 = arith.constant 0 : i32
    return %arg0, %c0_i32 : i32, i32
  }
  func.func @transform_1(%arg0: i32) -> (i32, i32) {
    %c0_i32 = arith.constant 0 : i32
    %c0_i32_0 = arith.constant 0 : i32
    return %arg0, %c0_i32 : i32, i32
  }
  func.func @transform_2(%arg0: i32) -> (i32, i32) {
    %c0_i32 = arith.constant 0 : i32
    %c0_i32_0 = arith.constant 0 : i32
    return %c0_i32, %arg0 : i32, i32
  }
  func.func @transform_3(%arg0: i32) -> (i32, i32) {
    %c0_i32 = arith.constant 0 : i32
    %c0_i32_0 = arith.constant 0 : i32
    return %c0_i32, %arg0 : i32, i32
  }
}

module attributes {stable_mosaic.version = 14 : i64} {
  func.func @_finish_body(%arg0: memref<32x4096xf32, #tpu.memory_space<vmem>>, %arg1: memref<32x4096xf32, #tpu.memory_space<vmem>>, %arg2: memref<8x16384xf32, #tpu.memory_space<vmem>>, %arg3: memref<8x16384xf32, #tpu.memory_space<vmem>>, %arg4: memref<1x32xf32, #tpu.memory_space<vmem>>) attributes {dimension_semantics = [], scalar_prefetch = 0 : i64, scratch_operands = 0 : i64, tpu.core_type = #tpu.core_type<tc>} {
    %get3A = arith.constant 0 : index
    %get3A_0 = arith.constant 0 : index
    %get3A_1 = vector.load %arg0[%get3A, %get3A_0] : memref<32x4096xf32, #tpu.memory_space<vmem>>, vector<32x4096xf32>
    %reduce_sum3A = arith.constant dense<0.000000e+00> : vector<4096xf32>
    %reduce_sum3A_2 = vector.multi_reduction <add>, %get3A_1, %reduce_sum3A [0] : vector<32x4096xf32> to vector<4096xf32>
    %broadcast_in_dim3A = vector.shape_cast %reduce_sum3A_2 : vector<4096xf32> to vector<1x4096xf32>
    %get3A_3 = arith.constant 0 : index
    %get3A_4 = arith.constant 0 : index
    %get3A_5 = vector.load %arg1[%get3A_3, %get3A_4] : memref<32x4096xf32, #tpu.memory_space<vmem>>, vector<32x4096xf32>
    %reduce_sum3A_6 = arith.constant dense<0.000000e+00> : vector<4096xf32>
    %reduce_sum3A_7 = vector.multi_reduction <add>, %get3A_5, %reduce_sum3A_6 [0] : vector<32x4096xf32> to vector<4096xf32>
    %broadcast_in_dim3A_8 = vector.shape_cast %reduce_sum3A_7 : vector<4096xf32> to vector<1x4096xf32>
    %broadcast_in_dim3A_9 = arith.constant 0.000000e+00 : f32
    %broadcast_in_dim3A_10 = vector.broadcast %broadcast_in_dim3A_9 : f32 to vector<32x512xf32>
    %slice3A = vector.extract_strided_slice %broadcast_in_dim3A {offsets = [0, 0], sizes = [1, 512], strides = [1, 1]} : vector<1x4096xf32> to vector<1x512xf32>
    %slice3A_11 = vector.extract_strided_slice %broadcast_in_dim3A_8 {offsets = [0, 0], sizes = [1, 512], strides = [1, 1]} : vector<1x4096xf32> to vector<1x512xf32>
    %get3A_12 = arith.constant 0 : index
    %get3A_13 = arith.constant 0 : index
    %get3A_14 = vector.load %arg2[%get3A_12, %get3A_13] : memref<8x16384xf32, #tpu.memory_space<vmem>>, vector<1x16384xf32>
    %reshape3A = vector.shape_cast %get3A_14 : vector<1x16384xf32> to vector<32x512xf32>
    %get3A_15 = arith.constant 0 : index
    %get3A_16 = arith.constant 0 : index
    %get3A_17 = vector.load %arg3[%get3A_15, %get3A_16] : memref<8x16384xf32, #tpu.memory_space<vmem>>, vector<1x16384xf32>
    %reshape3A_18 = vector.shape_cast %get3A_17 : vector<1x16384xf32> to vector<32x512xf32>
    %mul3A = vector.broadcast %slice3A : vector<1x512xf32> to vector<32x512xf32>
    %mul3A_19 = arith.mulf %reshape3A, %mul3A : vector<32x512xf32>
    %add3A = arith.addf %broadcast_in_dim3A_10, %mul3A_19 : vector<32x512xf32>
    %mul3A_20 = vector.broadcast %slice3A_11 : vector<1x512xf32> to vector<32x512xf32>
    %mul3A_21 = arith.mulf %reshape3A_18, %mul3A_20 : vector<32x512xf32>
    %add3A_22 = arith.addf %add3A, %mul3A_21 : vector<32x512xf32>
    %slice3A_23 = vector.extract_strided_slice %broadcast_in_dim3A {offsets = [0, 512], sizes = [1, 512], strides = [1, 1]} : vector<1x4096xf32> to vector<1x512xf32>
    %slice3A_24 = vector.extract_strided_slice %broadcast_in_dim3A_8 {offsets = [0, 512], sizes = [1, 512], strides = [1, 1]} : vector<1x4096xf32> to vector<1x512xf32>
    %get3A_25 = arith.constant 1 : index
    %get3A_26 = arith.constant 0 : index
    %get3A_27 = vector.load %arg2[%get3A_25, %get3A_26] : memref<8x16384xf32, #tpu.memory_space<vmem>>, vector<1x16384xf32>
    %reshape3A_28 = vector.shape_cast %get3A_27 : vector<1x16384xf32> to vector<32x512xf32>
    %get3A_29 = arith.constant 1 : index
    %get3A_30 = arith.constant 0 : index
    %get3A_31 = vector.load %arg3[%get3A_29, %get3A_30] : memref<8x16384xf32, #tpu.memory_space<vmem>>, vector<1x16384xf32>
    %reshape3A_32 = vector.shape_cast %get3A_31 : vector<1x16384xf32> to vector<32x512xf32>
    %mul3A_33 = vector.broadcast %slice3A_23 : vector<1x512xf32> to vector<32x512xf32>
    %mul3A_34 = arith.mulf %reshape3A_28, %mul3A_33 : vector<32x512xf32>
    %add3A_35 = arith.addf %add3A_22, %mul3A_34 : vector<32x512xf32>
    %mul3A_36 = vector.broadcast %slice3A_24 : vector<1x512xf32> to vector<32x512xf32>
    %mul3A_37 = arith.mulf %reshape3A_32, %mul3A_36 : vector<32x512xf32>
    %add3A_38 = arith.addf %add3A_35, %mul3A_37 : vector<32x512xf32>
    %slice3A_39 = vector.extract_strided_slice %broadcast_in_dim3A {offsets = [0, 1024], sizes = [1, 512], strides = [1, 1]} : vector<1x4096xf32> to vector<1x512xf32>
    %slice3A_40 = vector.extract_strided_slice %broadcast_in_dim3A_8 {offsets = [0, 1024], sizes = [1, 512], strides = [1, 1]} : vector<1x4096xf32> to vector<1x512xf32>
    %get3A_41 = arith.constant 2 : index
    %get3A_42 = arith.constant 0 : index
    %get3A_43 = vector.load %arg2[%get3A_41, %get3A_42] : memref<8x16384xf32, #tpu.memory_space<vmem>>, vector<1x16384xf32>
    %reshape3A_44 = vector.shape_cast %get3A_43 : vector<1x16384xf32> to vector<32x512xf32>
    %get3A_45 = arith.constant 2 : index
    %get3A_46 = arith.constant 0 : index
    %get3A_47 = vector.load %arg3[%get3A_45, %get3A_46] : memref<8x16384xf32, #tpu.memory_space<vmem>>, vector<1x16384xf32>
    %reshape3A_48 = vector.shape_cast %get3A_47 : vector<1x16384xf32> to vector<32x512xf32>
    %mul3A_49 = vector.broadcast %slice3A_39 : vector<1x512xf32> to vector<32x512xf32>
    %mul3A_50 = arith.mulf %reshape3A_44, %mul3A_49 : vector<32x512xf32>
    %add3A_51 = arith.addf %add3A_38, %mul3A_50 : vector<32x512xf32>
    %mul3A_52 = vector.broadcast %slice3A_40 : vector<1x512xf32> to vector<32x512xf32>
    %mul3A_53 = arith.mulf %reshape3A_48, %mul3A_52 : vector<32x512xf32>
    %add3A_54 = arith.addf %add3A_51, %mul3A_53 : vector<32x512xf32>
    %slice3A_55 = vector.extract_strided_slice %broadcast_in_dim3A {offsets = [0, 1536], sizes = [1, 512], strides = [1, 1]} : vector<1x4096xf32> to vector<1x512xf32>
    %slice3A_56 = vector.extract_strided_slice %broadcast_in_dim3A_8 {offsets = [0, 1536], sizes = [1, 512], strides = [1, 1]} : vector<1x4096xf32> to vector<1x512xf32>
    %get3A_57 = arith.constant 3 : index
    %get3A_58 = arith.constant 0 : index
    %get3A_59 = vector.load %arg2[%get3A_57, %get3A_58] : memref<8x16384xf32, #tpu.memory_space<vmem>>, vector<1x16384xf32>
    %reshape3A_60 = vector.shape_cast %get3A_59 : vector<1x16384xf32> to vector<32x512xf32>
    %get3A_61 = arith.constant 3 : index
    %get3A_62 = arith.constant 0 : index
    %get3A_63 = vector.load %arg3[%get3A_61, %get3A_62] : memref<8x16384xf32, #tpu.memory_space<vmem>>, vector<1x16384xf32>
    %reshape3A_64 = vector.shape_cast %get3A_63 : vector<1x16384xf32> to vector<32x512xf32>
    %mul3A_65 = vector.broadcast %slice3A_55 : vector<1x512xf32> to vector<32x512xf32>
    %mul3A_66 = arith.mulf %reshape3A_60, %mul3A_65 : vector<32x512xf32>
    %add3A_67 = arith.addf %add3A_54, %mul3A_66 : vector<32x512xf32>
    %mul3A_68 = vector.broadcast %slice3A_56 : vector<1x512xf32> to vector<32x512xf32>
    %mul3A_69 = arith.mulf %reshape3A_64, %mul3A_68 : vector<32x512xf32>
    %add3A_70 = arith.addf %add3A_67, %mul3A_69 : vector<32x512xf32>
    %slice3A_71 = vector.extract_strided_slice %broadcast_in_dim3A {offsets = [0, 2048], sizes = [1, 512], strides = [1, 1]} : vector<1x4096xf32> to vector<1x512xf32>
    %slice3A_72 = vector.extract_strided_slice %broadcast_in_dim3A_8 {offsets = [0, 2048], sizes = [1, 512], strides = [1, 1]} : vector<1x4096xf32> to vector<1x512xf32>
    %get3A_73 = arith.constant 4 : index
    %get3A_74 = arith.constant 0 : index
    %get3A_75 = vector.load %arg2[%get3A_73, %get3A_74] : memref<8x16384xf32, #tpu.memory_space<vmem>>, vector<1x16384xf32>
    %reshape3A_76 = vector.shape_cast %get3A_75 : vector<1x16384xf32> to vector<32x512xf32>
    %get3A_77 = arith.constant 4 : index
    %get3A_78 = arith.constant 0 : index
    %get3A_79 = vector.load %arg3[%get3A_77, %get3A_78] : memref<8x16384xf32, #tpu.memory_space<vmem>>, vector<1x16384xf32>
    %reshape3A_80 = vector.shape_cast %get3A_79 : vector<1x16384xf32> to vector<32x512xf32>
    %mul3A_81 = vector.broadcast %slice3A_71 : vector<1x512xf32> to vector<32x512xf32>
    %mul3A_82 = arith.mulf %reshape3A_76, %mul3A_81 : vector<32x512xf32>
    %add3A_83 = arith.addf %add3A_70, %mul3A_82 : vector<32x512xf32>
    %mul3A_84 = vector.broadcast %slice3A_72 : vector<1x512xf32> to vector<32x512xf32>
    %mul3A_85 = arith.mulf %reshape3A_80, %mul3A_84 : vector<32x512xf32>
    %add3A_86 = arith.addf %add3A_83, %mul3A_85 : vector<32x512xf32>
    %slice3A_87 = vector.extract_strided_slice %broadcast_in_dim3A {offsets = [0, 2560], sizes = [1, 512], strides = [1, 1]} : vector<1x4096xf32> to vector<1x512xf32>
    %slice3A_88 = vector.extract_strided_slice %broadcast_in_dim3A_8 {offsets = [0, 2560], sizes = [1, 512], strides = [1, 1]} : vector<1x4096xf32> to vector<1x512xf32>
    %get3A_89 = arith.constant 5 : index
    %get3A_90 = arith.constant 0 : index
    %get3A_91 = vector.load %arg2[%get3A_89, %get3A_90] : memref<8x16384xf32, #tpu.memory_space<vmem>>, vector<1x16384xf32>
    %reshape3A_92 = vector.shape_cast %get3A_91 : vector<1x16384xf32> to vector<32x512xf32>
    %get3A_93 = arith.constant 5 : index
    %get3A_94 = arith.constant 0 : index
    %get3A_95 = vector.load %arg3[%get3A_93, %get3A_94] : memref<8x16384xf32, #tpu.memory_space<vmem>>, vector<1x16384xf32>
    %reshape3A_96 = vector.shape_cast %get3A_95 : vector<1x16384xf32> to vector<32x512xf32>
    %mul3A_97 = vector.broadcast %slice3A_87 : vector<1x512xf32> to vector<32x512xf32>
    %mul3A_98 = arith.mulf %reshape3A_92, %mul3A_97 : vector<32x512xf32>
    %add3A_99 = arith.addf %add3A_86, %mul3A_98 : vector<32x512xf32>
    %mul3A_100 = vector.broadcast %slice3A_88 : vector<1x512xf32> to vector<32x512xf32>
    %mul3A_101 = arith.mulf %reshape3A_96, %mul3A_100 : vector<32x512xf32>
    %add3A_102 = arith.addf %add3A_99, %mul3A_101 : vector<32x512xf32>
    %slice3A_103 = vector.extract_strided_slice %broadcast_in_dim3A {offsets = [0, 3072], sizes = [1, 512], strides = [1, 1]} : vector<1x4096xf32> to vector<1x512xf32>
    %slice3A_104 = vector.extract_strided_slice %broadcast_in_dim3A_8 {offsets = [0, 3072], sizes = [1, 512], strides = [1, 1]} : vector<1x4096xf32> to vector<1x512xf32>
    %get3A_105 = arith.constant 6 : index
    %get3A_106 = arith.constant 0 : index
    %get3A_107 = vector.load %arg2[%get3A_105, %get3A_106] : memref<8x16384xf32, #tpu.memory_space<vmem>>, vector<1x16384xf32>
    %reshape3A_108 = vector.shape_cast %get3A_107 : vector<1x16384xf32> to vector<32x512xf32>
    %get3A_109 = arith.constant 6 : index
    %get3A_110 = arith.constant 0 : index
    %get3A_111 = vector.load %arg3[%get3A_109, %get3A_110] : memref<8x16384xf32, #tpu.memory_space<vmem>>, vector<1x16384xf32>
    %reshape3A_112 = vector.shape_cast %get3A_111 : vector<1x16384xf32> to vector<32x512xf32>
    %mul3A_113 = vector.broadcast %slice3A_103 : vector<1x512xf32> to vector<32x512xf32>
    %mul3A_114 = arith.mulf %reshape3A_108, %mul3A_113 : vector<32x512xf32>
    %add3A_115 = arith.addf %add3A_102, %mul3A_114 : vector<32x512xf32>
    %mul3A_116 = vector.broadcast %slice3A_104 : vector<1x512xf32> to vector<32x512xf32>
    %mul3A_117 = arith.mulf %reshape3A_112, %mul3A_116 : vector<32x512xf32>
    %add3A_118 = arith.addf %add3A_115, %mul3A_117 : vector<32x512xf32>
    %slice3A_119 = vector.extract_strided_slice %broadcast_in_dim3A {offsets = [0, 3584], sizes = [1, 512], strides = [1, 1]} : vector<1x4096xf32> to vector<1x512xf32>
    %slice3A_120 = vector.extract_strided_slice %broadcast_in_dim3A_8 {offsets = [0, 3584], sizes = [1, 512], strides = [1, 1]} : vector<1x4096xf32> to vector<1x512xf32>
    %get3A_121 = arith.constant 7 : index
    %get3A_122 = arith.constant 0 : index
    %get3A_123 = vector.load %arg2[%get3A_121, %get3A_122] : memref<8x16384xf32, #tpu.memory_space<vmem>>, vector<1x16384xf32>
    %reshape3A_124 = vector.shape_cast %get3A_123 : vector<1x16384xf32> to vector<32x512xf32>
    %get3A_125 = arith.constant 7 : index
    %get3A_126 = arith.constant 0 : index
    %get3A_127 = vector.load %arg3[%get3A_125, %get3A_126] : memref<8x16384xf32, #tpu.memory_space<vmem>>, vector<1x16384xf32>
    %reshape3A_128 = vector.shape_cast %get3A_127 : vector<1x16384xf32> to vector<32x512xf32>
    %mul3A_129 = vector.broadcast %slice3A_119 : vector<1x512xf32> to vector<32x512xf32>
    %mul3A_130 = arith.mulf %reshape3A_124, %mul3A_129 : vector<32x512xf32>
    %add3A_131 = arith.addf %add3A_118, %mul3A_130 : vector<32x512xf32>
    %mul3A_132 = vector.broadcast %slice3A_120 : vector<1x512xf32> to vector<32x512xf32>
    %mul3A_133 = arith.mulf %reshape3A_128, %mul3A_132 : vector<32x512xf32>
    %add3A_134 = arith.addf %add3A_131, %mul3A_133 : vector<32x512xf32>
    %reduce_sum3A_135 = arith.constant dense<0.000000e+00> : vector<32xf32>
    %reduce_sum3A_136 = vector.multi_reduction <add>, %add3A_134, %reduce_sum3A_135 [1] : vector<32x512xf32> to vector<32xf32>
    %broadcast_in_dim3A_137 = vector.shape_cast %reduce_sum3A_136 : vector<32xf32> to vector<32x1xf32>
    %mul3A_138 = arith.constant 3.81469727E-6 : f32
    %mul3A_139 = vector.broadcast %mul3A_138 : f32 to vector<32x1xf32>
    %mul3A_140 = arith.mulf %broadcast_in_dim3A_137, %mul3A_139 : vector<32x1xf32>
    %mul3A_141 = arith.constant 2.000000e+00 : f32
    %mul3A_142 = vector.broadcast %mul3A_141 : f32 to vector<32x1xf32>
    %mul3A_143 = arith.mulf %mul3A_140, %mul3A_142 : vector<32x1xf32>
    %round3A = math.roundeven %mul3A_143 : vector<32x1xf32>
    %mul3A_144 = arith.constant 5.000000e-01 : f32
    %mul3A_145 = vector.broadcast %mul3A_144 : f32 to vector<32x1xf32>
    %mul3A_146 = arith.mulf %round3A, %mul3A_145 : vector<32x1xf32>
    %jit3A = arith.constant -1.600000e+01 : f32
    %jit3A_147 = arith.constant 1.550000e+01 : f32
    %max3A = vector.broadcast %jit3A : f32 to vector<32x1xf32>
    %max3A_148 = arith.maximumf %max3A, %mul3A_146 : vector<32x1xf32>
    %min3A = vector.broadcast %jit3A_147 : f32 to vector<32x1xf32>
    %min3A_149 = arith.minimumf %min3A, %max3A_148 : vector<32x1xf32>
    %transpose3A = tpu.transpose %min3A_149, [1, 0] : vector<32x1xf32> -> vector<1x32xf32>
    %swap3A = arith.constant 0 : index
    %swap3A_150 = arith.constant 0 : index
    %swap3A_151 = vector.load %arg4[%swap3A, %swap3A_150] : memref<1x32xf32, #tpu.memory_space<vmem>>, vector<1x32xf32>
    tpu.vector_store %arg4[%swap3A, %swap3A_150], %transpose3A {strides = array<i32>} : memref<1x32xf32, #tpu.memory_space<vmem>>, vector<1x32xf32>,
    return
  }
}

</mosaic_0001>

<sc_bundles>
// kernel: kernel.5.cloned.1.call-start
scs
__scs_entry_jumppad:
0x0: {  	(pc) =	sbr.rel $0x88, $3  }
0x1: {  	(tag) =	ssettag $0x0;
	lr =	simm.s32 $0x1  }
0x2: {  	[smem:$0x3F9D] =	sst lr;
	_ =	strace $0xD0000000  }
0x3: {  	_ = 	snop  }
0x4: {  	_ = 	snop  }
0x5: {  	_ = 	snop  }
0x6: {  	_ = 	snop  }
0x7: {  	_ = 	snop  }
__scs_overlays_trampoline_lowered:
0x8: {  	[smem:$0x3FAC] =	sst s0  }
0x9: {  	[smem:$0x3FAD] =	sst s1  }
0xa: {  	[smem:$0x3FAE] =	sst s2  }
0xb: {  	[smem:$0x3FAF] =	sst s3  }
0xc: {  	[smem:$0x3FB0] =	sst s4  }
0xd: {  	[smem:$0x3FB1] =	sst s5  }
0xe: {  	[smem:$0x3FB2] =	sst s6  }
0xf: {  	[smem:$0x3FB3] =	sst s7  }
0x10: {  	[smem:$0x3FB4] =	sst s8  }
0x11: {  	[smem:$0x3FB5] =	sst s9;
	s0 =	simm.s32 @!p0 $0x0  }
0x12: {  	s1 =	sld [smem:$0x3F9B];
	s0 =	simm.s32 @p0 $0x1  }
0x13: {  	[smem:$0x3FB6] =	sst s0;
	s0 =	simm.s32 @!p1 $0x0  }
0x14: {  	s2 =	sld [smem:$0x3F9A];
	s0 =	simm.s32 @p1 $0x1  }
0x15: {  	[smem:$0x3FB7] =	sst s0;
	s0 =	simm.s32 @!p2 $0x0  }
0x16: {  	s3 =	sld [smem:$0x3FDB];
	s0 =	simm.s32 @p2 $0x1  }
0x17: {  	s4 =	simm.s32 $0x1BF5;
	[smem:$0x3FB9] =	sst s0  }
0x18: {  	s0 =	sld [smem:$0x3F9C];
	_ =	swait.ge [sflag:s4], $0x0  }
0x19: {  	s7 =	sld [smem:$0x3F9D]  }
0x1a: {  	s8 =	sadd.s32 $0xFFFFE003, lr  }
0x1b: {  	s9 =	sadd.s32 $0xFFFFFEF7, lr;
	s5 =	simm.s32 $0xFFFFFFFF;
	p2 =	slt.u32 s8, $0xFFFFF086  }
0x1c: {  	p1 =	slt.u32 s9, $0xF7A;
	s5 =	simm.s32 @!p2 $0x0  }
0x1d: {  	s5 =	simm.s32 @p1 $0x1;
	p0 =	seq.s32 s7, s2  }
0x1e: {  	s7 =	smul.u32 @!p0 $0xF7A, s2;
	p2 =	seq.s32 @!p0 s5, $0x0  }
0x1f: {  	s9 =	smul.u32 $0xF7A, s1;
	s8 =	simm.s32 @!p0 $0x1BF5;
	p2 =	por !p2, p0  }
0x20: {  	[sflag:s8] =	ssyncset.s32 @!p0 $0xFFFFF086;
	s6 =	sadd.s32 @!p0 s3, s7;
	s7 =	simm.s32 @!p0 $0x108  }
0x21: {  	s3 =	sadd.s32 s3, s9;
	s6 =	sadd.s32 @!p0 $0x88, s6;
	s7 =	simm.s32 @p2 $0x1082  }
0x22: {  	[simem:s7], [sflag:s8] =	dma.local @!p0 [hbm:s6], $0xF7A  }
0x23: {  	s9 =	sor.u32 $0xD0000000, s2;
	s6 =	simm.s32 $0x108;
	_ =	swait.ge @!p0 [sflag:s8], $0x0  }
0x24: {  	s3 =	sadd.s32 $0x88, s3;
	s6 =	simm.s32 @!p1 $0x1082;
	[sflag:s4] =	ssyncset.s32 $0xFFFFF086  }
0x25: {  	[simem:s6], [sflag:s4] =	dma.local [hbm:s3], $0xF7A  }
0x26: {  	[smem:$0x3F9D] =	sst s1;
	(tag) =	ssettag s2;
	_ =	strace s9  }
0x27: {  	s1 =	sld [smem:$0x3FAD]  }
0x28: {  	s2 =	sld [smem:$0x3FAE]  }
0x29: {  	s4 =	sld [smem:$0x3FB0]  }
0x2a: {  	p0 =	seq.s32 s5, $0x0;
	s5 =	sld [smem:$0x3FB1]  }
0x2b: {  	s6 =	sld [smem:$0x3FB2]  }
0x2c: {  	s7 =	sld [smem:$0x3FB3]  }
0x2d: {  	s3 =	simm.s32 $0x108;
	s8 =	sld [smem:$0x3FB4]  }
0x2e: {  	s3 =	simm.s32 @!p0 $0x1082;
	s9 =	sld [smem:$0x3FB5]  }
0x2f: {  	lr =	sadd.s32 s0, s3;
	s0 =	sld [smem:$0x3FAC]  }
0x30: {  	s3 =	sld [smem:$0x3FAF]  }
0x31: {  	[smem:$0x3FB8] =	sst s10  }
0x32: {  	s10 =	sld [smem:$0x3FB6];
	_ =	sdelay $0x3  }
0x33: {  	p0 =	seq.s32 s10, $0x1;
	s10 =	sld [smem:$0x3FB8];
	_ =	sdelay $0x3  }
0x34: {  	[smem:$0x3FB8] =	sst s10  }
0x35: {  	s10 =	sld [smem:$0x3FB7];
	_ =	sdelay $0x3  }
0x36: {  	p1 =	seq.s32 s10, $0x1;
	s10 =	sld [smem:$0x3FB8];
	_ =	sdelay $0x3  }
0x37: {  	[smem:$0x3FB8] =	sst s10  }
0x38: {  	s10 =	sld [smem:$0x3FB9]  }
0x39: {  	_ = 	snop;
	(pc) =	sbr.ind lr, $3  }
0x3a: {  	_ = 	snop  }
0x3b: {  	_ = 	snop  }
0x3c: {  	p2 =	seq.s32 s10, $0x1;
	s10 =	sld [smem:$0x3FB8]  }
0x3d: {  	_ =	shalt  }
0x3e: {  	_ =	shalt  }
0x3f: {  	_ =	shalt  }
0x40: {  	_ =	shalt  }
0x41: {  	_ =	shalt  }
0x42: {  	_ =	shalt  }
0x43: {  	_ =	shalt  }
0x44: {  	_ =	shalt  }
0x45: {  	_ =	shalt  }
0x46: {  	_ =	shalt  }
0x47: {  	_ =	shalt  }
0x48: {  	_ =	shalt  }
0x49: {  	_ =	shalt  }
0x4a: {  	_ =	shalt  }
0x4b: {  	_ =	shalt  }
0x4c: {  	_ =	shalt  }
0x4d: {  	_ =	shalt  }
0x4e: {  	_ =	shalt  }
0x4f: {  	_ =	shalt  }
0x50: {  	_ =	shalt  }
0x51: {  	_ =	shalt  }
0x52: {  	_ =	shalt  }
0x53: {  	_ =	shalt  }
0x54: {  	_ =	shalt  }
0x55: {  	_ =	shalt  }
0x56: {  	_ =	shalt  }
0x57: {  	_ =	shalt  }
0x58: {  	_ =	shalt  }
0x59: {  	_ =	shalt  }
0x5a: {  	_ =	shalt  }
0x5b: {  	_ =	shalt  }
0x5c: {  	_ =	shalt  }
0x5d: {  	_ =	shalt  }
0x5e: {  	_ =	shalt  }
0x5f: {  	_ =	shalt  }
0x60: {  	_ =	shalt  }
0x61: {  	_ =	shalt  }
0x62: {  	_ =	shalt  }
0x63: {  	_ =	shalt  }
0x64: {  	_ =	shalt  }
0x65: {  	_ =	shalt  }
0x66: {  	_ =	shalt  }
0x67: {  	_ =	shalt  }
0x68: {  	_ =	shalt  }
0x69: {  	_ =	shalt  }
0x6a: {  	_ =	shalt  }
0x6b: {  	_ =	shalt  }
0x6c: {  	_ =	shalt  }
0x6d: {  	_ =	shalt  }
0x6e: {  	_ =	shalt  }
0x6f: {  	_ =	shalt  }
0x70: {  	_ =	shalt  }
0x71: {  	_ =	shalt  }
0x72: {  	_ =	shalt  }
0x73: {  	_ =	shalt  }
0x74: {  	_ =	shalt  }
0x75: {  	_ =	shalt  }
0x76: {  	_ =	shalt  }
0x77: {  	_ =	shalt  }
0x78: {  	_ =	shalt  }
0x79: {  	_ =	shalt  }
0x7a: {  	_ =	shalt  }
0x7b: {  	_ =	shalt  }
0x7c: {  	_ =	shalt  }
0x7d: {  	_ =	shalt  }
0x7e: {  	_ =	shalt  }
0x7f: {  	_ =	shalt  }
0x80: {  	_ =	shalt  }
0x81: {  	_ =	shalt  }
0x82: {  	_ =	shalt  }
0x83: {  	_ =	shalt  }
0x84: {  	_ =	shalt  }
0x85: {  	_ =	shalt  }
0x86: {  	_ =	shalt  }
0x87: {  	_ =	shalt  }
.Lfunc_end0:
.L_simem_size_0:
called_computation_lowered:
.L_overlay_start_0:
0x88: {  	s2 =	sld [smem:$0x3FD9]  }
0x89: {  	s3 =	sld [smem:$0x3FFE];
	_ =	sdelay $0x1  }
0x8a: {  	s1 =	srdreg.scid  }
0x8b: {  	s0 =	sand.u32 $0x1, s1  }
0x8c: {  	s17 =	sshll.u32 s0, $0xA;
	s2 =	sadd.s32 s3, s2  }
0x8d: {  	s2 =	sadd.s32 s2, s17  }
0x8e: {  	[smem:$0x3FC4] =	sst s2  }
0x8f: {  	_ = 	snop  }
0x90: {  	s2 =	sld [smem:$0x3FC9]  }
0x91: {  	s18 =	sld [smem:$0x3FC8];
	(tm) =	ssettm $0x1  }
0x92: {  	s4 =	sld [smem:$0x3FFB];
	_ =	sdelay $0x3  }
0x93: {  	_ =	strace s4  }
0x94: {  	s4 =	sld [smem:$0x3FFC];
	_ =	sdelay $0x3  }
0x95: {  	_ =	strace s4  }
0x96: {  	s4 =	sld [smem:$0x3FFD];
	_ =	sdelay $0x3  }
0x97: {  	_ =	strace s4  }
0x98: {  	_ =	strace $0x8FFFFFFF  }
0x99: {  	s19 =	sld [smem:$0x3FDB];
	_ =	sdelay $0x1  }
0x9a: {  	s5 =	simm.s32 $_scs_section_size  }
0x9b: {  	s6 =	simm.s32 $_size__tile_overlayer_lowered;
	s7 =	simm.s32 $_tile_overlayer_lowered  }
0x9c: {  	s22 =	simm.s32 $0x1BFF;
	s21 =	sshll.u32 s7, $0x1;
	s4 =	sadd.s32 s5, s19  }
0x9d: {  	s8 =	simm.s32 $0x0;
	s20 =	sshll.u32 s6, $0x1;
	s6 =	sadd.s32 s21, s4  }
0x9e: {  	[timem:s8], [sflag:s22] =	dma.local [hbm:s6], s20  }
0x9f: {  	_ =	swait.ge [sflag:s22], s20  }
0xa0: {  	s5 =	ssub.s32 $0x0, s20;
	[sflag:s22] =	ssyncset.done $0x0  }
0xa1: {  	[sflag:s22] =	ssyncadd.s32 s5;
	_ =	sdelay $0x1  }
0xa2: {  	s23 =	simm.s32 $0x1B8B  }
0xa3: {  	_ =	swait.ge [sflag:s23], $0x1  }
0xa4: {  	[sflag:s23] =	ssyncset.done $0x0  }
0xa5: {  	s25 =	simm.s32 $0x1B8E;
	s24 =	sld [smem:$0x3FFE];
	[sflag:s23] =	ssyncadd.s32 $0xFFFFFFFF  }
0xa6: {  	s26 =	simm.s32 $execute0_lowered;
	[smem:$0x3FD2] =	sst s25  }
0xa7: {  	s6 =	sshll.u32 s26, $0x1;
	_ =	strace $0x80000046;
	[dreg:$0x1] =	wrdreg $0xFFFFFFFF  }
0xa8: {  	s28 =	simm.s32 $_size_execute0_lowered;
	s4 =	sadd.s32 s4, s6;
	[dreg:$0x0] =	wrdreg $0x0  }
0xa9: {  	s6 =	sshll.u32 s28, $0x1;
	[dreg:$0x2] =	wrdreg s4  }
0xaa: {  	[dreg:$0x3] =	wrdreg s6  }
0xab: {  	[dreg:$0x4] =	wrdreg $0xC0  }
0xac: {  	_ =	task [dreg:s8], $0x5FFFF  }
0xad: {  	[dreg:$0x1] =	wrdreg $0xFFFFFFFF  }
0xae: {  	[dreg:$0x0] =	wrdreg $0x60  }
0xaf: {  	[dreg:$0x2] =	wrdreg s2  }
0xb0: {  	[dreg:$0x3] =	wrdreg s18  }
0xb1: {  	[dreg:$0x4] =	wrdreg s24  }
0xb2: {  	[dreg:$0x5] =	wrdreg $0x9  }
0xb3: {  	_ =	task.clear_ibuf [dreg:s8], $0x6FFFF;
	_ =	strace $0x90000046  }
0xb4: {  	s29 =	simm.s32 $0x9;
	_ =	strace $0x80000048  }
0xb5: {  	_ =	swait.ge [sflag:s29], $0x1  }
0xb6: {  	[sflag:s29] =	ssyncadd.s32 $0xFFFFFFFF  }
0xb7: {  	_ =	strace $0x90000048  }
0xb8: {  	_ =	sfence  }
0xb9: {  	s30 =	sld [smem:$0x0];
	_ =	sdelay $0x2  }
0xba: {  	s31 =	sshll.u32 s1, $0xD;
	s1 =	sshrl.u32 s1, $0x2  }
0xbb: {  	s3 =	sand.u32 $0x4000, s31;
	s1 =	sadd.s32 s1, s30  }
0xbc: {  	s0 =	sor.u32 s3, s0;
	s1 =	sshll.u32 s1, $0x11  }
0xbd: {  	s0 =	sor.u32 s1, s0  }
0xbe: {  	s0 =	sadd.s32 $0x8F2B, s0  }
0xbf: {  	[sflag:s0] =	ssyncadd.remote.s32 $0x1  }
0xc0: {  	_ =	sfence.sel $0xFFFF  }
0xc1: {  	[dreg:$0x0] =	wrdreg $0xFFFFFFFF;
	(pc) =	sbr.abs _section_cstart, $3  }
0xc2: {  	[dreg:$0x1] =	wrdreg $0xFFFFFFFF  }
0xc3: {  	_ =	task.clear_ibuf [dreg:s8], $0x2FFFF;
	_ =	strace $0x9FFFFFFF  }
0xc4: {  	(tm) =	ssettm $0x7FFFFFFF  }
0xc5: {  	_ =	shalt  }
tec
execute0_lowered:
.L_overlay_start_1:
0x0: {  	(tag) =	ssettag $0x1  }
0x1: {  	s5 =	rddreg [dreg:$0x0]  }
0x2: {  	s8 =	rddreg [dreg:$0x1];
	s1 =	srdreg.scid  }
0x3: {  	s0 =	stileid.u32;
	s3 =	rddreg [dreg:$0x2]  }
0x4: {  	s12 =	simm.s32 $0x2000;
	s13 =	simm.s32 $0x4000;
	s14 =	simm.s32 $0x6000  }
0x5: {  	s15 =	simm.s32 $0x8000;
	s16 =	simm.s32 $0xA000;
	s17 =	simm.s32 $0x1  }
0x6: {  	s18 =	simm.s32 $0xC000;
	s19 =	simm.s32 $0xD000;
	s20 =	simm.s32 $0x80  }
0x7: {  	s21 =	simm.s32 $0x400;
	s22 =	simm.s32 $0x2;
	s23 =	simm.s32 $0x0  }
0x8: {  	s4 =	sand.u32 $0x1, s1;
	s2 =	sshll.u32 s0, $0x1;
	s1 =	rddreg [dreg:$0x3]  }
0x9: {  	s7 =	sshll.u32 s0, $0xA;
	s6 =	sor.u32 s4, s2;
	s2 =	simm.s32 $0x0  }
0xa: {  	s4 =	ssub.s32 $0x2, s4;
	s9 =	sshll.u32 s6, $0x4;
	[smem:$0x7FF] =	sst s2  }
0xb: {  	s29 =	sshrl.u32 s4, $0x1;
	s6 =	sshll.u32 s6, $0xA;
	s7 =	sor.u32 s7, s9  }
0xc: {  	_ =	strace $0x80000047;
	s11 =	ssub.s32 s4, s29;
	s30 =	sor.u32 $0x8000, s6  }
0xd: {  	s31 =	sor.u32 $0x10000, s6;
	s7 =	sand.u32 $0x3070, s7;
	s4 =	sadd.s32 s5, s30  }
0xe: {  	s11 =	smax.u32 s11, $0x1;
	s10 =	sadd.s32 s7, s3;
	s3 =	sadd.s32 s5, s6  }
0xf: {  	s5 =	sadd.s32 s5, s31;
	s6 =	sadd.s32 s8, s6;
	s7 =	sadd.s32 s8, s30  }
0x10: {  	v0 =	vimm.f32 $0.0e+00;
	v1 =	vimm.f32 $1.000000000e+00;
	s8 =	sadd.s32 s8, s31;
	s9 =	sadd.s32 $0x1200, s10;
	s10 =	sadd.s32 $0x5200, s10  }
.LBB2_1:
0x11: {  	[tilespmem:s2], [sflag:$0x1] =	stream.linear.gather [hbm4b:s3+s2], $0x2000, $0x38;
	[tilespmem:$0xE000] =	vst v63  }
0x12: {  	_ = 	snop  }
0x13: {  	[tilespmem:s12], [sflag:$0x1] =	stream.linear.gather [hbm4b:s4+s2], $0x2000, $0x38;
	[tilespmem:$0xE000] =	vst v63  }
0x14: {  	_ = 	snop  }
0x15: {  	[tilespmem:s13], [sflag:$0x1] =	stream.linear.gather [hbm4b:s5+s2], $0x2000, $0x38;
	[tilespmem:$0xE000] =	vst v63  }
0x16: {  	_ = 	snop  }
0x17: {  	[tilespmem:s14], [sflag:$0x1] =	stream.linear.gather [hbm4b:s6+s2], $0x2000, $0x38;
	[tilespmem:$0xE000] =	vst v63  }
0x18: {  	_ = 	snop  }
0x19: {  	[tilespmem:s15], [sflag:$0x1] =	stream.linear.gather [hbm4b:s7+s2], $0x2000, $0x38;
	[tilespmem:$0xE000] =	vst v63  }
0x1a: {  	s24 =	simm.s32 $0x40;
	s25 =	simm.s32 $0x0  }
0x1b: {  	[tilespmem:s16], [sflag:$0x1] =	stream.linear.gather [hbm4b:s8+s2], $0x2000, $0x38;
	[tilespmem:$0xE000] =	vst v63  }
.LBB2_2:
0x1c: {  	p0 =	sne.s32 s24, $0x3FC0;
	[tilespmem:s25+$0xC000] =	vst v0;
	s26 =	smov.u32 s24;
	s24 =	sadd.s32 $0x40, s24  }
.Ltmp0:
0x1d: {  	[tilespmem:s25+$0xD000] =	vst v0;
	(pc) =	sbr.rel @p0 .LBB2_2-.Ltmp0, $2  }
0x1e: {  	_ =	sdelay $0x2  }
0x1f: {  	s25 =	sshra.s32 s26, $0x2  }
0x20: {  	[tilespmem:s25+$0xC000] =	vst v0  }
0x21: {  	[tilespmem:s25+$0xD000] =	vst v0  }
0x22: {  	_ =	swait.ge [sflag:s17], $0x2000  }
0x23: {  	[sflag:s17] =	ssyncset.done $0x0  }
0x24: {  	[sflag:s17] =	ssyncadd.s32 $0xFFFFE000  }
0x25: {  	_ =	swait.ge [sflag:s17], $0x2000  }
0x26: {  	[sflag:s17] =	ssyncset.done $0x0  }
0x27: {  	[sflag:s17] =	ssyncadd.s32 $0xFFFFE000  }
0x28: {  	_ =	swait.ge [sflag:s17], $0x2000  }
0x29: {  	[sflag:s17] =	ssyncset.done $0x0  }
0x2a: {  	[sflag:s17] =	ssyncadd.s32 $0xFFFFE000  }
0x2b: {  	_ =	swait.ge [sflag:s17], $0x2000  }
0x2c: {  	[sflag:s17] =	ssyncset.done $0x0  }
0x2d: {  	[sflag:s17] =	ssyncadd.s32 $0xFFFFE000  }
0x2e: {  	_ =	swait.ge [sflag:s17], $0x2000  }
0x2f: {  	[sflag:s17] =	ssyncset.done $0x0  }
0x30: {  	[sflag:s17] =	ssyncadd.s32 $0xFFFFE000  }
0x31: {  	_ =	swait.ge [sflag:s17], $0x2000  }
0x32: {  	[sflag:s17] =	ssyncset.done $0x0  }
0x33: {  	s24 =	simm.s32 $0x0;
	s25 =	simm.s32 $0x0;
	[sflag:s17] =	ssyncadd.s32 $0xFFFFE000  }
.LBB2_4:
0x34: {  	s26 =	sshll.u32 s25, $0x8  }
0x35: {  	s28 =	sand.u32 $0x800, s24;
	s29 =	sshll.u32 s25, $0x6;
	s26 =	sand.u32 $0x1000, s26  }
0x36: {  	s31 =	sand.u32 $0x380, s29;
	s26 =	sor.u32 s28, s26  }
0x37: {  	s26 =	sor.u32 s31, s26  }
0x38: {  	v2 =	vld [tilespmem:s26+$0x0]  }
0x39: {  	v3 =	vld [tilespmem:s26+$0x2000]  }
0x3a: {  	v4 =	vld [tilespmem:s26+$0x6000]  }
0x3b: {  	v5 =	vld [tilespmem:s26+$0x8000]  }
0x3c: {  	v6 =	vld [tilespmem:s26+$0x10]  }
0x3d: {  	v8 =	vld [tilespmem:s26+$0x6010]  }
0x3e: {  	v9 =	vld [tilespmem:s26+$0x8010]  }
0x3f: {  	v7 =	vld [tilespmem:s26+$0x2010]  }
0x40: {  	v10 =	vld [tilespmem:s26+$0x4000]  }
0x41: {  	v11 =	vld [tilespmem:s26+$0xA000];
	v2 =	vmul.f32 $2.560000000e+02, v2;
	v3 =	vmul.f32 $1.600000000e+01, v3  }
0x42: {  	v13 =	vld [tilespmem:s26+$0xA010];
	v4 =	vmul.f32 $2.560000000e+02, v4;
	v5 =	vmul.f32 $1.600000000e+01, v5  }
0x43: {  	v12 =	vld [tilespmem:s26+$0x4010];
	v51 =	vmul.f32 $2.560000000e+02, v8;
	v52 =	vmul.f32 $1.600000000e+01, v9;
	v2 =	vadd.f32 v3, v2  }
0x44: {  	v50 =	vmul.f32 $1.600000000e+01, v7;
	v3 =	vmul.f32 $2.560000000e+02, v6;
	v4 =	vadd.f32 v5, v4  }
0x45: {  	v5 =	vadd.f32 v52, v51;
	v2 =	vadd.f32 v2, v10  }
0x46: {  	v3 =	vadd.f32 v50, v3;
	v4 =	vadd.f32 v4, v11  }
0x47: {  	v5 =	vadd.f32 v5, v13  }
0x48: {  	v2 =	vtrunc.f32 v2;
	v3 =	vadd.f32 v3, v12;
	v4 =	vtrunc.f32 v4  }
0x49: {  	v5 =	vtrunc.f32 v5;
	v2 =	vcvt.f32.s32 v2  }
0x4a: {  	v4 =	vcvt.f32.s32 v4;
	v3 =	vtrunc.f32 v3  }
0x4b: {  	v5 =	vcvt.f32.s32 v5;
	v3 =	vcvt.f32.s32 v3  }
0x4c: {  	v53 =	vshll.u32 v2, $0x9;
	v54 =	vshll.u32 v4, $0x9;
	v2 =	vshra.s32 v2, $0x3  }
0x4d: {  	v4 =	vshra.s32 v4, $0x3;
	v56 =	vshll.u32 v5, $0x9;
	v6 =	vand.u32 $0xE00, v53  }
0x4e: {  	v7 =	vand.u32 $0xE00, v54;
	v55 =	vshll.u32 v3, $0x9;
	v2 =	vor.u32 v2, v6  }
0x4f: {  	v3 =	vshra.s32 v3, $0x3;
	v4 =	vor.u32 v4, v7;
	v8 =	vand.u32 $0xE00, v55  }
0x50: {  	v5 =	vshra.s32 v5, $0x3;
	v6 =	vand.u32 $0xE00, v56;
	v3 =	vor.u32 v3, v8  }
0x51: {  	v5 =	vor.u32 v5, v6;
	_ =	sdelay $0x1  }
0x52: {  	[tilespmem:v2+s18+$0x0] =	vst.idx.add.f32.msk $0xffff, v1  }
0x53: {  	[tilespmem:v4+s19+$0x0] =	vst.idx.add.f32.msk $0xffff, v1  }
0x54: {  	[tilespmem:v3+s18+$0x0] =	vst.idx.add.f32.msk $0xffff, v1  }
0x55: {  	[tilespmem:v5+s19+$0x0] =	vst.idx.add.f32.msk $0xffff, v1  }
0x56: {  	v2 =	vld [tilespmem:s26+$0x20]  }
0x57: {  	v3 =	vld [tilespmem:s26+$0x2020]  }
0x58: {  	v4 =	vld [tilespmem:s26+$0x6020]  }
0x59: {  	v5 =	vld [tilespmem:s26+$0x8020]  }
0x5a: {  	v57 =	vld [tilespmem:s26+$0x30]  }
0x5b: {  	v59 =	vld [tilespmem:s26+$0x6030]  }
0x5c: {  	v60 =	vld [tilespmem:s26+$0x8030]  }
0x5d: {  	v58 =	vld [tilespmem:s26+$0x2030]  }
0x5e: {  	v61 =	vld [tilespmem:s26+$0x4020]  }
0x5f: {  	v62 =	vld [tilespmem:s26+$0xA020];
	v2 =	vmul.f32 $2.560000000e+02, v2;
	v3 =	vmul.f32 $1.600000000e+01, v3  }
0x60: {  	v16 =	vld [tilespmem:s26+$0xA030];
	v4 =	vmul.f32 $2.560000000e+02, v4;
	v5 =	vmul.f32 $1.600000000e+01, v5  }
0x61: {  	v63 =	vld [tilespmem:s26+$0x4030];
	v18 =	vmul.f32 $2.560000000e+02, v59;
	v19 =	vmul.f32 $1.600000000e+01, v60;
	v2 =	vadd.f32 v3, v2  }
0x62: {  	v17 =	vmul.f32 $1.600000000e+01, v58;
	v3 =	vmul.f32 $2.560000000e+02, v57;
	v4 =	vadd.f32 v5, v4  }
0x63: {  	v5 =	vadd.f32 v19, v18;
	v2 =	vadd.f32 v2, v61  }
0x64: {  	v3 =	vadd.f32 v17, v3;
	v4 =	vadd.f32 v4, v62  }
0x65: {  	v5 =	vadd.f32 v5, v16  }
0x66: {  	v2 =	vtrunc.f32 v2;
	v3 =	vadd.f32 v3, v63;
	v4 =	vtrunc.f32 v4  }
0x67: {  	v5 =	vtrunc.f32 v5;
	v2 =	vcvt.f32.s32 v2  }
0x68: {  	v4 =	vcvt.f32.s32 v4;
	v3 =	vtrunc.f32 v3  }
0x69: {  	v5 =	vcvt.f32.s32 v5;
	v3 =	vcvt.f32.s32 v3  }
0x6a: {  	v20 =	vshll.u32 v2, $0x9;
	v21 =	vshll.u32 v4, $0x9;
	v2 =	vshra.s32 v2, $0x3  }
0x6b: {  	v4 =	vshra.s32 v4, $0x3;
	v23 =	vshll.u32 v5, $0x9;
	v6 =	vand.u32 $0xE00, v20  }
0x6c: {  	v7 =	vand.u32 $0xE00, v21;
	v22 =	vshll.u32 v3, $0x9;
	v2 =	vor.u32 v2, v6  }
0x6d: {  	v3 =	vshra.s32 v3, $0x3;
	v4 =	vor.u32 v4, v7;
	v8 =	vand.u32 $0xE00, v22  }
0x6e: {  	v5 =	vshra.s32 v5, $0x3;
	v6 =	vand.u32 $0xE00, v23;
	v3 =	vor.u32 v3, v8  }
0x6f: {  	v5 =	vor.u32 v5, v6;
	_ =	sdelay $0x1  }
0x70: {  	[tilespmem:v2+s18+$0x0] =	vst.idx.add.f32.msk $0xffff, v1  }
0x71: {  	[tilespmem:v4+s19+$0x0] =	vst.idx.add.f32.msk $0xffff, v1  }
0x72: {  	[tilespmem:v3+s18+$0x0] =	vst.idx.add.f32.msk $0xffff, v1  }
0x73: {  	[tilespmem:v5+s19+$0x0] =	vst.idx.add.f32.msk $0xffff, v1  }
0x74: {  	v2 =	vld [tilespmem:s26+$0x40]  }
0x75: {  	v3 =	vld [tilespmem:s26+$0x2040]  }
0x76: {  	v4 =	vld [tilespmem:s26+$0x6040]  }
0x77: {  	v5 =	vld [tilespmem:s26+$0x8040]  }
0x78: {  	v24 =	vld [tilespmem:s26+$0x50]  }
0x79: {  	v26 =	vld [tilespmem:s26+$0x6050]  }
0x7a: {  	v27 =	vld [tilespmem:s26+$0x8050]  }
0x7b: {  	v25 =	vld [tilespmem:s26+$0x2050]  }
0x7c: {  	v28 =	vld [tilespmem:s26+$0x4040]  }
0x7d: {  	v29 =	vld [tilespmem:s26+$0xA040];
	v2 =	vmul.f32 $2.560000000e+02, v2;
	v3 =	vmul.f32 $1.600000000e+01, v3  }
0x7e: {  	v31 =	vld [tilespmem:s26+$0xA050];
	v4 =	vmul.f32 $2.560000000e+02, v4;
	v5 =	vmul.f32 $1.600000000e+01, v5  }
0x7f: {  	v30 =	vld [tilespmem:s26+$0x4050];
	v33 =	vmul.f32 $2.560000000e+02, v26;
	v34 =	vmul.f32 $1.600000000e+01, v27;
	v2 =	vadd.f32 v3, v2  }
0x80: {  	v32 =	vmul.f32 $1.600000000e+01, v25;
	v3 =	vmul.f32 $2.560000000e+02, v24;
	v4 =	vadd.f32 v5, v4  }
0x81: {  	v5 =	vadd.f32 v34, v33;
	v2 =	vadd.f32 v2, v28  }
0x82: {  	v3 =	vadd.f32 v32, v3;
	v4 =	vadd.f32 v4, v29  }
0x83: {  	v5 =	vadd.f32 v5, v31  }
0x84: {  	v2 =	vtrunc.f32 v2;
	v3 =	vadd.f32 v3, v30;
	v4 =	vtrunc.f32 v4  }
0x85: {  	v5 =	vtrunc.f32 v5;
	v2 =	vcvt.f32.s32 v2  }
0x86: {  	v4 =	vcvt.f32.s32 v4;
	v3 =	vtrunc.f32 v3  }
0x87: {  	v5 =	vcvt.f32.s32 v5;
	v3 =	vcvt.f32.s32 v3  }
0x88: {  	v35 =	vshll.u32 v2, $0x9;
	v36 =	vshll.u32 v4, $0x9;
	v2 =	vshra.s32 v2, $0x3  }
0x89: {  	v4 =	vshra.s32 v4, $0x3;
	v38 =	vshll.u32 v5, $0x9;
	v6 =	vand.u32 $0xE00, v35  }
0x8a: {  	v7 =	vand.u32 $0xE00, v36;
	v37 =	vshll.u32 v3, $0x9;
	v2 =	vor.u32 v2, v6  }
0x8b: {  	v3 =	vshra.s32 v3, $0x3;
	v4 =	vor.u32 v4, v7;
	v8 =	vand.u32 $0xE00, v37  }
0x8c: {  	v5 =	vshra.s32 v5, $0x3;
	v6 =	vand.u32 $0xE00, v38;
	v3 =	vor.u32 v3, v8  }
0x8d: {  	v5 =	vor.u32 v5, v6;
	_ =	sdelay $0x1  }
0x8e: {  	[tilespmem:v2+s18+$0x0] =	vst.idx.add.f32.msk $0xffff, v1  }
0x8f: {  	[tilespmem:v4+s19+$0x0] =	vst.idx.add.f32.msk $0xffff, v1  }
0x90: {  	[tilespmem:v3+s18+$0x0] =	vst.idx.add.f32.msk $0xffff, v1  }
0x91: {  	[tilespmem:v5+s19+$0x0] =	vst.idx.add.f32.msk $0xffff, v1  }
0x92: {  	v2 =	vld [tilespmem:s26+$0x60]  }
0x93: {  	v3 =	vld [tilespmem:s26+$0x2060]  }
0x94: {  	v4 =	vld [tilespmem:s26+$0x6060]  }
0x95: {  	v5 =	vld [tilespmem:s26+$0x8060]  }
0x96: {  	v39 =	vld [tilespmem:s26+$0x70]  }
0x97: {  	v41 =	vld [tilespmem:s26+$0x6070]  }
0x98: {  	v42 =	vld [tilespmem:s26+$0x8070]  }
0x99: {  	v40 =	vld [tilespmem:s26+$0x2070]  }
0x9a: {  	v43 =	vld [tilespmem:s26+$0x4060]  }
0x9b: {  	v44 =	vld [tilespmem:s26+$0xA060];
	v2 =	vmul.f32 $2.560000000e+02, v2;
	v3 =	vmul.f32 $1.600000000e+01, v3  }
0x9c: {  	v46 =	vld [tilespmem:s26+$0xA070];
	v4 =	vmul.f32 $2.560000000e+02, v4;
	v5 =	vmul.f32 $1.600000000e+01, v5  }
0x9d: {  	v45 =	vld [tilespmem:s26+$0x4070];
	v48 =	vmul.f32 $2.560000000e+02, v41;
	v49 =	vmul.f32 $1.600000000e+01, v42;
	v2 =	vadd.f32 v3, v2  }
0x9e: {  	v47 =	vmul.f32 $1.600000000e+01, v40;
	v3 =	vmul.f32 $2.560000000e+02, v39;
	v4 =	vadd.f32 v5, v4  }
0x9f: {  	v5 =	vadd.f32 v49, v48;
	v2 =	vadd.f32 v2, v43  }
0xa0: {  	v3 =	vadd.f32 v47, v3;
	v4 =	vadd.f32 v4, v44  }
0xa1: {  	v5 =	vadd.f32 v5, v46  }
0xa2: {  	v2 =	vtrunc.f32 v2;
	v3 =	vadd.f32 v3, v45;
	v4 =	vtrunc.f32 v4  }
0xa3: {  	v5 =	vtrunc.f32 v5;
	v2 =	vcvt.f32.s32 v2  }
0xa4: {  	v4 =	vcvt.f32.s32 v4;
	v3 =	vtrunc.f32 v3  }
0xa5: {  	v5 =	vcvt.f32.s32 v5;
	v3 =	vcvt.f32.s32 v3  }
0xa6: {  	v50 =	vshll.u32 v2, $0x9;
	v51 =	vshll.u32 v4, $0x9;
	v2 =	vshra.s32 v2, $0x3  }
0xa7: {  	v4 =	vshra.s32 v4, $0x3;
	v53 =	vshll.u32 v5, $0x9;
	v6 =	vand.u32 $0xE00, v50  }
0xa8: {  	v7 =	vand.u32 $0xE00, v51;
	v52 =	vshll.u32 v3, $0x9;
	v2 =	vor.u32 v2, v6  }
0xa9: {  	v3 =	vshra.s32 v3, $0x3;
	v4 =	vor.u32 v4, v7;
	v8 =	vand.u32 $0xE00, v52  }
0xaa: {  	v5 =	vshra.s32 v5, $0x3;
	v6 =	vand.u32 $0xE00, v53;
	v3 =	vor.u32 v3, v8  }
0xab: {  	v5 =	vor.u32 v5, v6;
	_ =	sdelay $0x1  }
0xac: {  	[tilespmem:v2+s18+$0x0] =	vst.idx.add.f32.msk $0xffff, v1  }
0xad: {  	[tilespmem:v4+s19+$0x0] =	vst.idx.add.f32.msk $0xffff, v1  }
0xae: {  	[tilespmem:v3+s18+$0x0] =	vst.idx.add.f32.msk $0xffff, v1  }
0xaf: {  	[tilespmem:v5+s19+$0x0] =	vst.idx.add.f32.msk $0xffff, v1  }
0xb0: {  	v2 =	vld [tilespmem:s26+$0x400]  }
0xb1: {  	v3 =	vld [tilespmem:s26+$0x2400]  }
0xb2: {  	v4 =	vld [tilespmem:s26+$0x6400]  }
0xb3: {  	v5 =	vld [tilespmem:s26+$0x8400]  }
0xb4: {  	v54 =	vld [tilespmem:s26+$0x410]  }
0xb5: {  	v56 =	vld [tilespmem:s26+$0x6410]  }
0xb6: {  	v57 =	vld [tilespmem:s26+$0x8410]  }
0xb7: {  	v55 =	vld [tilespmem:s26+$0x2410]  }
0xb8: {  	v58 =	vld [tilespmem:s26+$0x4400]  }
0xb9: {  	v59 =	vld [tilespmem:s26+$0xA400];
	v2 =	vmul.f32 $2.560000000e+02, v2;
	v3 =	vmul.f32 $1.600000000e+01, v3  }
0xba: {  	v61 =	vld [tilespmem:s26+$0xA410];
	v4 =	vmul.f32 $2.560000000e+02, v4;
	v5 =	vmul.f32 $1.600000000e+01, v5  }
0xbb: {  	v60 =	vld [tilespmem:s26+$0x4410];
	v63 =	vmul.f32 $2.560000000e+02, v56;
	v14 =	vmul.f32 $1.600000000e+01, v57;
	v2 =	vadd.f32 v3, v2  }
0xbc: {  	v62 =	vmul.f32 $1.600000000e+01, v55;
	v3 =	vmul.f32 $2.560000000e+02, v54;
	v4 =	vadd.f32 v5, v4  }
0xbd: {  	v5 =	vadd.f32 v14, v63;
	v2 =	vadd.f32 v2, v58  }
0xbe: {  	v3 =	vadd.f32 v62, v3;
	v4 =	vadd.f32 v4, v59  }
0xbf: {  	v5 =	vadd.f32 v5, v61  }
0xc0: {  	v2 =	vtrunc.f32 v2;
	v3 =	vadd.f32 v3, v60;
	v4 =	vtrunc.f32 v4  }
0xc1: {  	v5 =	vtrunc.f32 v5;
	v2 =	vcvt.f32.s32 v2  }
0xc2: {  	v4 =	vcvt.f32.s32 v4;
	v3 =	vtrunc.f32 v3  }
0xc3: {  	v5 =	vcvt.f32.s32 v5;
	v3 =	vcvt.f32.s32 v3  }
0xc4: {  	v15 =	vshll.u32 v2, $0x9;
	v16 =	vshll.u32 v4, $0x9;
	v2 =	vshra.s32 v2, $0x3  }
0xc5: {  	v4 =	vshra.s32 v4, $0x3;
	v18 =	vshll.u32 v5, $0x9;
	v6 =	vand.u32 $0xE00, v15  }
0xc6: {  	v7 =	vand.u32 $0xE00, v16;
	v17 =	vshll.u32 v3, $0x9;
	v2 =	vor.u32 v2, v6  }
0xc7: {  	v3 =	vshra.s32 v3, $0x3;
	v4 =	vor.u32 v4, v7;
	v8 =	vand.u32 $0xE00, v17  }
0xc8: {  	v5 =	vshra.s32 v5, $0x3;
	v6 =	vand.u32 $0xE00, v18;
	v3 =	vor.u32 v3, v8  }
0xc9: {  	v5 =	vor.u32 v5, v6;
	_ =	sdelay $0x1  }
0xca: {  	[tilespmem:v2+s18+$0x0] =	vst.idx.add.f32.msk $0xffff, v1  }
0xcb: {  	[tilespmem:v4+s19+$0x0] =	vst.idx.add.f32.msk $0xffff, v1  }
0xcc: {  	[tilespmem:v3+s18+$0x0] =	vst.idx.add.f32.msk $0xffff, v1  }
0xcd: {  	[tilespmem:v5+s19+$0x0] =	vst.idx.add.f32.msk $0xffff, v1  }
0xce: {  	v2 =	vld [tilespmem:s26+$0x420]  }
0xcf: {  	v3 =	vld [tilespmem:s26+$0x2420]  }
0xd0: {  	v4 =	vld [tilespmem:s26+$0x6420]  }
0xd1: {  	v5 =	vld [tilespmem:s26+$0x8420]  }
0xd2: {  	v19 =	vld [tilespmem:s26+$0x430]  }
0xd3: {  	v21 =	vld [tilespmem:s26+$0x6430]  }
0xd4: {  	v22 =	vld [tilespmem:s26+$0x8430]  }
0xd5: {  	v20 =	vld [tilespmem:s26+$0x2430]  }
0xd6: {  	v23 =	vld [tilespmem:s26+$0x4420]  }
0xd7: {  	v24 =	vld [tilespmem:s26+$0xA420];
	v2 =	vmul.f32 $2.560000000e+02, v2;
	v3 =	vmul.f32 $1.600000000e+01, v3  }
0xd8: {  	v26 =	vld [tilespmem:s26+$0xA430];
	v4 =	vmul.f32 $2.560000000e+02, v4;
	v5 =	vmul.f32 $1.600000000e+01, v5  }
0xd9: {  	v25 =	vld [tilespmem:s26+$0x4430];
	v28 =	vmul.f32 $2.560000000e+02, v21;
	v29 =	vmul.f32 $1.600000000e+01, v22;
	v2 =	vadd.f32 v3, v2  }
0xda: {  	v27 =	vmul.f32 $1.600000000e+01, v20;
	v3 =	vmul.f32 $2.560000000e+02, v19;
	v4 =	vadd.f32 v5, v4  }
0xdb: {  	v5 =	vadd.f32 v29, v28;
	v2 =	vadd.f32 v2, v23  }
0xdc: {  	v3 =	vadd.f32 v27, v3;
	v4 =	vadd.f32 v4, v24  }
0xdd: {  	v5 =	vadd.f32 v5, v26  }
0xde: {  	v2 =	vtrunc.f32 v2;
	v3 =	vadd.f32 v3, v25;
	v4 =	vtrunc.f32 v4  }
0xdf: {  	v5 =	vtrunc.f32 v5;
	v2 =	vcvt.f32.s32 v2  }
0xe0: {  	v4 =	vcvt.f32.s32 v4;
	v3 =	vtrunc.f32 v3  }
0xe1: {  	v5 =	vcvt.f32.s32 v5;
	v3 =	vcvt.f32.s32 v3  }
0xe2: {  	v30 =	vshll.u32 v2, $0x9;
	v31 =	vshll.u32 v4, $0x9;
	v2 =	vshra.s32 v2, $0x3  }
0xe3: {  	v4 =	vshra.s32 v4, $0x3;
	v33 =	vshll.u32 v5, $0x9;
	v6 =	vand.u32 $0xE00, v30  }
0xe4: {  	v7 =	vand.u32 $0xE00, v31;
	v32 =	vshll.u32 v3, $0x9;
	v2 =	vor.u32 v2, v6  }
0xe5: {  	v3 =	vshra.s32 v3, $0x3;
	v4 =	vor.u32 v4, v7;
	v8 =	vand.u32 $0xE00, v32  }
0xe6: {  	v5 =	vshra.s32 v5, $0x3;
	v6 =	vand.u32 $0xE00, v33;
	v3 =	vor.u32 v3, v8  }
0xe7: {  	v5 =	vor.u32 v5, v6;
	_ =	sdelay $0x1  }
0xe8: {  	[tilespmem:v2+s18+$0x0] =	vst.idx.add.f32.msk $0xffff, v1  }
0xe9: {  	[tilespmem:v4+s19+$0x0] =	vst.idx.add.f32.msk $0xffff, v1  }
0xea: {  	[tilespmem:v3+s18+$0x0] =	vst.idx.add.f32.msk $0xffff, v1  }
0xeb: {  	[tilespmem:v5+s19+$0x0] =	vst.idx.add.f32.msk $0xffff, v1  }
0xec: {  	v2 =	vld [tilespmem:s26+$0x440]  }
0xed: {  	v3 =	vld [tilespmem:s26+$0x2440]  }
0xee: {  	v4 =	vld [tilespmem:s26+$0x6440]  }
0xef: {  	v5 =	vld [tilespmem:s26+$0x8440]  }
0xf0: {  	v34 =	vld [tilespmem:s26+$0x450]  }
0xf1: {  	v36 =	vld [tilespmem:s26+$0x6450]  }
0xf2: {  	v37 =	vld [tilespmem:s26+$0x8450]  }
0xf3: {  	v35 =	vld [tilespmem:s26+$0x2450]  }
0xf4: {  	v38 =	vld [tilespmem:s26+$0x4440]  }
0xf5: {  	v39 =	vld [tilespmem:s26+$0xA440];
	v2 =	vmul.f32 $2.560000000e+02, v2;
	v3 =	vmul.f32 $1.600000000e+01, v3  }
0xf6: {  	v41 =	vld [tilespmem:s26+$0xA450];
	v4 =	vmul.f32 $2.560000000e+02, v4;
	v5 =	vmul.f32 $1.600000000e+01, v5  }
0xf7: {  	v40 =	vld [tilespmem:s26+$0x4450];
	v43 =	vmul.f32 $2.560000000e+02, v36;
	v44 =	vmul.f32 $1.600000000e+01, v37;
	v2 =	vadd.f32 v3, v2  }
0xf8: {  	v42 =	vmul.f32 $1.600000000e+01, v35;
	v3 =	vmul.f32 $2.560000000e+02, v34;
	v4 =	vadd.f32 v5, v4  }
0xf9: {  	v5 =	vadd.f32 v44, v43;
	v2 =	vadd.f32 v2, v38  }
0xfa: {  	v3 =	vadd.f32 v42, v3;
	v4 =	vadd.f32 v4, v39  }
0xfb: {  	v5 =	vadd.f32 v5, v41  }
0xfc: {  	v2 =	vtrunc.f32 v2;
	v3 =	vadd.f32 v3, v40;
	v4 =	vtrunc.f32 v4  }
0xfd: {  	v5 =	vtrunc.f32 v5;
	v2 =	vcvt.f32.s32 v2  }
0xfe: {  	v4 =	vcvt.f32.s32 v4;
	v3 =	vtrunc.f32 v3  }
0xff: {  	v5 =	vcvt.f32.s32 v5;
	v3 =	vcvt.f32.s32 v3  }
0x100: {  	v45 =	vshll.u32 v2, $0x9;
	v46 =	vshll.u32 v4, $0x9;
	v2 =	vshra.s32 v2, $0x3  }
0x101: {  	v4 =	vshra.s32 v4, $0x3;
	v48 =	vshll.u32 v5, $0x9;
	v6 =	vand.u32 $0xE00, v45  }
0x102: {  	v7 =	vand.u32 $0xE00, v46;
	v47 =	vshll.u32 v3, $0x9;
	v2 =	vor.u32 v2, v6  }
0x103: {  	v3 =	vshra.s32 v3, $0x3;
	v4 =	vor.u32 v4, v7;
	v8 =	vand.u32 $0xE00, v47  }
0x104: {  	v5 =	vshra.s32 v5, $0x3;
	v6 =	vand.u32 $0xE00, v48;
	v3 =	vor.u32 v3, v8  }
0x105: {  	v5 =	vor.u32 v5, v6;
	_ =	sdelay $0x1  }
0x106: {  	[tilespmem:v2+s18+$0x0] =	vst.idx.add.f32.msk $0xffff, v1  }
0x107: {  	[tilespmem:v4+s19+$0x0] =	vst.idx.add.f32.msk $0xffff, v1  }
0x108: {  	[tilespmem:v3+s18+$0x0] =	vst.idx.add.f32.msk $0xffff, v1  }
0x109: {  	[tilespmem:v5+s19+$0x0] =	vst.idx.add.f32.msk $0xffff, v1  }
0x10a: {  	v2 =	vld [tilespmem:s26+$0x460]  }
0x10b: {  	v3 =	vld [tilespmem:s26+$0x2460]  }
0x10c: {  	v4 =	vld [tilespmem:s26+$0x6460]  }
0x10d: {  	v5 =	vld [tilespmem:s26+$0x8460]  }
0x10e: {  	v49 =	vld [tilespmem:s26+$0x470]  }
0x10f: {  	v51 =	vld [tilespmem:s26+$0x6470]  }
0x110: {  	v52 =	vld [tilespmem:s26+$0x8470]  }
0x111: {  	v50 =	vld [tilespmem:s26+$0x2470]  }
0x112: {  	v53 =	vld [tilespmem:s26+$0x4460]  }
0x113: {  	v54 =	vld [tilespmem:s26+$0xA460];
	v2 =	vmul.f32 $2.560000000e+02, v2;
	v3 =	vmul.f32 $1.600000000e+01, v3  }
0x114: {  	v56 =	vld [tilespmem:s26+$0xA470];
	v4 =	vmul.f32 $2.560000000e+02, v4;
	v5 =	vmul.f32 $1.600000000e+01, v5  }
0x115: {  	v55 =	vld [tilespmem:s26+$0x4470];
	v58 =	vmul.f32 $2.560000000e+02, v51;
	v59 =	vmul.f32 $1.600000000e+01, v52;
	v2 =	vadd.f32 v3, v2  }
0x116: {  	v57 =	vmul.f32 $1.600000000e+01, v50;
	v3 =	vmul.f32 $2.560000000e+02, v49;
	v4 =	vadd.f32 v5, v4  }
0x117: {  	v5 =	vadd.f32 v59, v58;
	v2 =	vadd.f32 v2, v53  }
0x118: {  	v3 =	vadd.f32 v57, v3;
	v4 =	vadd.f32 v4, v54  }
0x119: {  	v5 =	vadd.f32 v5, v56  }
0x11a: {  	v2 =	vtrunc.f32 v2;
	v3 =	vadd.f32 v3, v55;
	v4 =	vtrunc.f32 v4  }
0x11b: {  	v5 =	vtrunc.f32 v5;
	v2 =	vcvt.f32.s32 v2  }
0x11c: {  	v4 =	vcvt.f32.s32 v4;
	v3 =	vtrunc.f32 v3  }
0x11d: {  	v5 =	vcvt.f32.s32 v5;
	v3 =	vcvt.f32.s32 v3  }
0x11e: {  	v60 =	vshll.u32 v2, $0x9;
	v61 =	vshll.u32 v4, $0x9;
	v2 =	vshra.s32 v2, $0x3  }
0x11f: {  	v4 =	vshra.s32 v4, $0x3;
	v63 =	vshll.u32 v5, $0x9;
	v6 =	vand.u32 $0xE00, v60  }
0x120: {  	v7 =	vand.u32 $0xE00, v61;
	v62 =	vshll.u32 v3, $0x9;
	v2 =	vor.u32 v2, v6  }
0x121: {  	v3 =	vshra.s32 v3, $0x3;
	v4 =	vor.u32 v4, v7;
	v8 =	vand.u32 $0xE00, v62  }
0x122: {  	v5 =	vshra.s32 v5, $0x3;
	v6 =	vand.u32 $0xE00, v63;
	v3 =	vor.u32 v3, v8  }
0x123: {  	p0 =	sne.s32 s25, $0x1F;
	v5 =	vor.u32 v5, v6  }
.Ltmp1:
0x124: {  	_ = 	snop;
	(pc) =	sbr.rel @p0 .LBB2_4-.Ltmp1, $4  }
0x125: {  	[tilespmem:v2+s18+$0x0] =	vst.idx.add.f32.msk $0xffff, v1  }
0x126: {  	[tilespmem:v4+s19+$0x0] =	vst.idx.add.f32.msk $0xffff, v1  }
0x127: {  	[tilespmem:v3+s18+$0x0] =	vst.idx.add.f32.msk $0xffff, v1  }
0x128: {  	s24 =	sadd.s32 $0x800, s24;
	s25 =	sadd.s32 $0x1, s25;
	[tilespmem:v5+s19+$0x0] =	vst.idx.add.f32.msk $0xffff, v1  }
0x129: {  	[hbm4b:s9+s20] =	stream.strided.scatter [tilespmem:s18], [sflag:$0x2], $0x1000, s21, s20, $0x38;
	[tilespmem:$0xE000] =	vst v63  }
0x12a: {  	s23 =	sadd.s32 $0x1, s23;
	_ =	swait.ge [sflag:s22], $0x1000  }
0x12b: {  	p0 =	sne.s32 s23, s11;
	[sflag:s22] =	ssyncset.done $0x0  }
.Ltmp2:
0x12c: {  	[sflag:s22] =	ssyncadd.s32 $0xFFFFF000;
	(pc) =	sbr.rel @p0 .LBB2_1-.Ltmp2, $4  }
0x12d: {  	[hbm4b:s10+s20] =	stream.strided.scatter [tilespmem:s19], [sflag:$0x2], $0x1000, s21, s20, $0x38;
	[tilespmem:$0xE000] =	vst v63  }
0x12e: {  	_ =	swait.ge [sflag:s22], $0x1000  }
0x12f: {  	[sflag:s22] =	ssyncset.done $0x0  }
0x130: {  	[sflag:s22] =	ssyncadd.s32 $0xFFFFF000  }
0x131: {  	_ =	sfence.sel $0x180000  }
0x132: {  	[bflag:$0x0] =	sbarrier.arrive $0xFFFF  }
0x133: {  	p0 =	sne.s32 s0, $0x0;
	_ =	strace $0x90000047  }
0x134: {  	s0 =	sadd.s32 @!p0 $0x100000, s1;
	[bflag:$0x2] =	sbarrier.arrive $0xFFFF  }
0x135: {  	[sflag:s0] =	ssyncadd.tile.s32 @!p0 $0x1;
	_ =	shalt  }
.Lfunc_end2:
_tile_overlayer_lowered:
.L_overlay_start_2:
0x136: {  	(tag) =	ssettag $0x2  }
0x137: {  	s0 =	rddreg [dreg:$0x0];
	s2 =	stileid.u32  }
0x138: {  	s1 =	rddreg [dreg:$0x1];
	p0 =	sne.s32 s2, $0x0  }
0x139: {  	s3 =	rddreg [dreg:$0x2];
	[bflag:$0x3] =	sbarrier.arrive $0xFFFF;
	s2 =	simm.s32 @!p0 $0x1C02  }
0x13a: {  	[timem:s3], [sflag:s2] =	dma.local @!p0 [hbm:s0], s1  }
0x13b: {  	s0 =	simm.s32 @!p0 $0x2  }
0x13c: {  	_ =	swait.ge @!p0 [sflag:s0], s1  }
0x13d: {  	s1 =	ssub.s32 @!p0 $0x0, s1;
	[sflag:s0] =	ssyncset.done @!p0 $0x0  }
0x13e: {  	[sflag:s0] =	ssyncadd.s32 @!p0 s1  }
0x13f: {  	[bflag:$0x3] =	sbarrier.arrive $0xFFFF  }
0x140: {  	_ =	shalt  }

</sc_bundles>
